<compile_context>
chip_gen: v7x
topology: tpu7x:2x2x1
jax: 0.10.2.dev20260603
libtpu: 0.0.44.dev20260713+nightly
codegen_flags: <defaults>
</compile_context>

<pallas_src>
import functools

import numpy as np
import jax
import jax.numpy as jnp
from jax import lax
from jax.experimental import pallas as pl
from jax.experimental.pallas import tpu as pltpu
from jax.experimental.pallas import tpu_sc as plsc

_B, _L = 4, 2048
_D, _FF, _NH = 128, 512, 4
_MEM = 256 + 64
_K = _MEM + _L
_DH = _D // _NH
_BQ = 512
_NQ = _L // _BQ
_SQRTD = float(np.sqrt(float(_D)))
_ISQ = float(1.0 / np.sqrt(float(_DH)))

_INVFREQ = 1.0 / (10000.0 ** (np.arange(0, _D, 2, dtype=np.float64) / _D))
_ANG_I = (np.arange(_L, dtype=np.float64) + _MEM)[:, None] * _INVFREQ[None, :]
_SIN_I, _COS_I = np.sin(_ANG_I), np.cos(_ANG_I)
_TA = np.concatenate([_SIN_I, _SIN_I], axis=1).astype(np.float32)
_TB = np.concatenate([_COS_I, -_COS_I], axis=1).astype(np.float32)
_ANG_J = np.arange(_K, dtype=np.float64)[:, None] * _INVFREQ[None, :]
_WT = np.concatenate([np.cos(_ANG_J), np.sin(_ANG_J)], axis=1)
_WT_BF = _WT.astype(jnp.bfloat16)

_NROWS_IDX = (_B * _L) // 128
_NW = 32
_RPW = (_B * _L) // _NW


def _embed_gather(idx2d, table):
    mesh = plsc.VectorSubcoreMesh(core_axis_name="c", subcore_axis_name="s")

    @functools.partial(
        pl.kernel,
        mesh=mesh,
        out_type=jax.ShapeDtypeStruct((_B * _L, _D), jnp.float32),
        scratch_types=[
            pltpu.VMEM((2, 128), jnp.int32),
            pltpu.VMEM((_RPW, _D), jnp.float32),
            pltpu.SemaphoreType.DMA,
        ],
    )
    def gk(idx_hbm, table_hbm, out_hbm, idx_v, rows_v, sem):
        wid = lax.axis_index("s") * 2 + lax.axis_index("c")
        pltpu.sync_copy(idx_hbm.at[pl.ds(wid * 2, 2)], idx_v)
        c0 = pltpu.async_copy(table_hbm.at[idx_v.at[0]], rows_v.at[pl.ds(0, 128)], sem)
        c1 = pltpu.async_copy(table_hbm.at[idx_v.at[1]], rows_v.at[pl.ds(128, 128)], sem)
        c0.wait()
        c1.wait()
        pltpu.sync_copy(rows_v, out_hbm.at[pl.ds(wid * _RPW, _RPW)])

    return gk(idx2d, table)


def _ln_in(x, g, b):
    m = jnp.mean(x, axis=1, keepdims=True)
    xc = x - m
    v = jnp.mean(xc * xc, axis=1, keepdims=True)
    return g * xc / jnp.sqrt(v + 1e-5) + b


def _mega_body(x_ref, mem_ref, wqkv_ref, bqkv_ref, wr_ref, bc_ref, br_ref,
               ta_ref, tb_ref, wt_ref, wo_ref, bo_ref, g1_ref, be1_ref,
               w1_ref, bb1_ref, w2_ref, bb2_ref, g2_ref, be2_ref, out_ref):
    f32 = jnp.float32
    bf = jnp.bfloat16
    xs = x_ref[0] * _SQRTD
    mem = mem_ref[0]
    wqkv = wqkv_ref[...]
    q = jnp.dot(xs, wqkv[:, :_D], preferred_element_type=f32) + bqkv_ref[:, :_D]
    kx = jnp.dot(xs, wqkv[:, _D:2 * _D], preferred_element_type=f32) + bqkv_ref[:, _D:2 * _D]
    km = jnp.dot(mem, wqkv[:, _D:2 * _D], preferred_element_type=f32) + bqkv_ref[:, _D:2 * _D]
    vx = jnp.dot(xs, wqkv[:, 2 * _D:], preferred_element_type=f32) + bqkv_ref[:, 2 * _D:]
    vm = jnp.dot(mem, wqkv[:, 2 * _D:], preferred_element_type=f32) + bqkv_ref[:, 2 * _D:]
    phi = q + br_ref[...]
    ta = ta_ref[...]
    tb = tb_ref[...]
    wt = wt_ref[...]

    qe, ke, ve = [], [], []
    ones_col = jnp.ones((_K, 8), dtype=bf)
    for n in range(_NH):
        sl = slice(n * _DH, (n + 1) * _DH)
        g = lax.dot_general(phi[:, sl], wr_ref[:, sl],
                            (((1,), (1,)), ((), ())), preferred_element_type=f32)
        gsw = jnp.concatenate([g[:, _D // 2:], g[:, :_D // 2]], axis=1)
        u_n = (g * ta + gsw * tb) * _ISQ
        qu_n = (q[:, sl] + bc_ref[:, sl]) * _ISQ
        qe.append(jnp.concatenate([qu_n.astype(bf), u_n.astype(bf)], axis=1))
        kh = jnp.concatenate([km[:, sl], kx[:, sl]], axis=0).astype(bf)
        vh = jnp.concatenate([vm[:, sl], vx[:, sl]], axis=0).astype(bf)
        ke.append(jnp.concatenate([kh, wt], axis=1))
        ve.append(jnp.concatenate([vh, ones_col], axis=1))

    tri = (lax.broadcasted_iota(jnp.int32, (_BQ, _BQ), 1)
           <= lax.broadcasted_iota(jnp.int32, (_BQ, _BQ), 0))
    o_blocks = []
    for qi in range(_NQ):
        kq = qi * _BQ + _BQ + _MEM
        kl = kq - _BQ
        qs = slice(qi * _BQ, (qi + 1) * _BQ)
        o_heads = []
        for n in range(_NH):
            sL = lax.dot_general(qe[n][qs], ke[n][:kl], (((1,), (1,)), ((), ())),
                                 preferred_element_type=f32)
            sR = lax.dot_general(qe[n][qs], ke[n][kl:kq], (((1,), (1,)), ((), ())),
                                 preferred_element_type=f32)
            eL = jnp.exp(sL).astype(bf)
            eR = jnp.where(tri, jnp.exp(sR), 0.0).astype(bf)
            o1 = (lax.dot_general(eL, ve[n][:kl], (((1,), (0,)), ((), ())),
                                  preferred_element_type=f32)
                  + lax.dot_general(eR, ve[n][kl:kq], (((1,), (0,)), ((), ())),
                                    preferred_element_type=f32))
            o_heads.append(o1[:, :_DH] * (1.0 / o1[:, _DH:_DH + 1]))
        o_blocks.append(jnp.concatenate(o_heads, axis=1))
    ao = jnp.concatenate(o_blocks, axis=0)

    t = jnp.dot(ao.astype(bf), wo_ref[...], preferred_element_type=f32) + bo_ref[...]
    h1 = _ln_in(xs + t, g1_ref[...], be1_ref[...])
    hh = jnp.maximum(jnp.dot(h1, w1_ref[...], preferred_element_type=f32) + bb1_ref[...], 0.0)
    ff = jnp.dot(hh, w2_ref[...], preferred_element_type=f32) + bb2_ref[...]
    out_ref[0] = _ln_in(h1 + ff, g2_ref[...], be2_ref[...])


def _mega(x, memory, wqkv, bqkv, wr, bc, br, wo, bo, g1, be1, w1, bb1, w2,
          bb2, g2, be2, nb):
    full = lambda shp: pl.BlockSpec(shp, lambda b: (0,) * len(shp))
    return pl.pallas_call(
        _mega_body,
        grid=(nb,),
        in_specs=[
            pl.BlockSpec((1, _L, _D), lambda b: (b, 0, 0)),
            pl.BlockSpec((1, _MEM, _D), lambda b: (b, 0, 0)),
            full((_D, 3 * _D)),
            full((1, 3 * _D)),
            full((_D, _D)),
            full((1, _D)),
            full((1, _D)),
            full((_L, _D)),
            full((_L, _D)),
            full((_K, _D)),
            full((_D, _D)),
            full((1, _D)),
            full((1, _D)),
            full((1, _D)),
            full((_D, _FF)),
            full((1, _FF)),
            full((_FF, _D)),
            full((1, _D)),
            full((1, _D)),
            full((1, _D)),
        ],
        out_specs=pl.BlockSpec((1, _L, _D), lambda b: (b, 0, 0)),
        out_shape=jax.ShapeDtypeStruct((nb, _L, _D), jnp.float32),
    )(x, memory, wqkv, bqkv, wr, bc, br, _TA, _TB, _WT_BF, wo, bo, g1, be1,
      w1, bb1, w2, bb2, g2, be2)


def kernel(tokens, table, memory, kernel_qkv, bias_qkv, kernel_r, kernel_o,
           bias_o, bias_context, bias_relative, gamma1, beta1, w1, b1, w2, b2,
           gamma2, beta2):
    idx2d = tokens.astype(jnp.int32).reshape(_NROWS_IDX, 128)
    xf = _embed_gather(idx2d, table)
    x = xf.reshape(_B, _L, _D)
    r2 = lambda a: a.reshape(1, -1)
    return _mega(x, memory, kernel_qkv, r2(bias_qkv), kernel_r,
                 r2(bias_context), r2(bias_relative), kernel_o, r2(bias_o),
                 r2(gamma1), r2(beta1), w1, r2(b1), w2, r2(b2), r2(gamma2),
                 r2(beta2), _B)

# --- scband reference (transcript-rebuilt; emitter-appended) ---
"""Pipeline reference for scband-attention-gate-14439680049258 (READ-ONLY COPY).

The authoritative reference and input builder live on the scoring server;
editing this copy changes nothing except your own understanding.
"""

import jax, jax.numpy as jnp
import numpy as np

B, L = 4, 2048
V, D, FF, NH = 1000000, 128, 512, 4
MEM = 256 + 64

def _ln(x, g, b):
    m = jnp.mean(x, axis=-1, keepdims=True)
    v = jnp.var(x, axis=-1, keepdims=True)
    return g * (x - m) / jnp.sqrt(v + 1e-5) + b

def _pos_emb(klen, d):
    pos = jnp.arange(klen - 1, -1, -1.0, dtype=jnp.float32)
    inv = 1.0 / (10000.0 ** (jnp.arange(0, d, 2, dtype=jnp.float32) / d))
    ang = pos[:, None] * inv[None, :]
    return jnp.concatenate([jnp.sin(ang), jnp.cos(ang)], axis=-1)

def _rel_shift(x):
    b, h, q, k = x.shape
    x = jnp.pad(x, ((0, 0), (0, 0), (0, 0), (1, 0)))
    x = x.reshape(b, h, k + 1, q)
    return x[:, :, 1:, :].reshape(b, h, q, k)

def setup_inputs(seed: int = 0):
    key = jax.random.key(seed)
    ks = jax.random.split(key, 12)
    return {
        'tokens': jax.random.randint(ks[0], (B, L), 0, V),
        'table': 0.02 * jax.random.normal(ks[1], (V, D), jnp.float32),
        'memory': jnp.zeros((B, MEM, D), jnp.float32),
        'kernel_qkv': 0.02 * jax.random.normal(ks[2], (D, 3 * D), jnp.float32),
        'bias_qkv': jnp.zeros((3 * D,), jnp.float32),
        'kernel_r': 0.02 * jax.random.normal(ks[3], (D, D), jnp.float32),
        'kernel_o': 0.02 * jax.random.normal(ks[4], (D, D), jnp.float32),
        'bias_o': jnp.zeros((D,), jnp.float32),
        'bias_context': 0.02 * jax.random.normal(ks[5], (D,), jnp.float32),
        'bias_relative': 0.02 * jax.random.normal(ks[6], (D,), jnp.float32),
        'gamma1': jnp.ones((D,), jnp.float32),
        'beta1': jnp.zeros((D,), jnp.float32),
        'w1': 0.02 * jax.random.normal(ks[7], (D, FF), jnp.float32),
        'b1': jnp.zeros((FF,), jnp.float32),
        'w2': 0.02 * jax.random.normal(ks[8], (FF, D), jnp.float32),
        'b2': jnp.zeros((D,), jnp.float32),
        'gamma2': jnp.ones((D,), jnp.float32),
        'beta2': jnp.zeros((D,), jnp.float32),
    }

def reference(tokens, table, memory, kernel_qkv, bias_qkv, kernel_r, kernel_o, bias_o, bias_context, bias_relative, gamma1, beta1, w1, b1, w2, b2, gamma2, beta2):
    b, l = tokens.shape
    d = table.shape[1]
    nh = NH
    dh = d // nh
    # AdaptiveEmbedding (div_val=1, embed_dim==units -> plain lookup) + Scale(sqrt(units))
    x = jnp.take(table, tokens, axis=0) * np.sqrt(float(d))
    # memory (initial compressive memory state, zeros) concatenated as attention context
    full = jnp.concatenate([memory, x], axis=1)
    k_len = full.shape[1]
    # RelativePartialMultiHeadSelfAttention (Transformer-XL)
    q = x @ kernel_qkv[:, :d] + bias_qkv[:d]
    kk = full @ kernel_qkv[:, d:2 * d] + bias_qkv[d:2 * d]
    vv = full @ kernel_qkv[:, 2 * d:] + bias_qkv[2 * d:]
    r = _pos_emb(k_len, d) @ kernel_r
    qh = q.reshape(b, l, nh, dh)
    kh = kk.reshape(b, k_len, nh, dh)
    vh = vv.reshape(b, k_len, nh, dh)
    rh = r.reshape(k_len, nh, dh)
    u = bias_context.reshape(nh, dh)
    vb = bias_relative.reshape(nh, dh)
    ac = jnp.einsum('bind,bjnd->bnij', qh + u[None, None], kh)
    bd = _rel_shift(jnp.einsum('bind,jnd->bnij', qh + vb[None, None], rh))
    att = (ac + bd) / np.sqrt(float(dh))
    m = k_len - l
    mask = jnp.arange(k_len)[None, :] <= (jnp.arange(l)[:, None] + m)
    att = jnp.where(mask[None, None, :, :], att, -1e30)
    att = jax.nn.softmax(att, axis=-1)
    ao = jnp.einsum('bnij,bjnd->bind', att, vh).reshape(b, l, d)
    ao = ao @ kernel_o + bias_o
    # residual + LayerNorm
    h = _ln(x + ao, gamma1, beta1)
    # FeedForward + residual + LayerNorm
    ff = jax.nn.relu(h @ w1 + b1) @ w2 + b2
    return _ln(h + ff, gamma2, beta2)

if __name__ == "__main__":
    import jax
    _d = setup_inputs()
    print(jax.jit(kernel)(*tuple(_d.values())))

</pallas_src>

<mosaic_0001>
#map = affine_map<(d0, d1) -> (0, 0)>
module attributes {stable_mosaic.version = 14 : i64} {
  func.func @gk(%arg0: i32, %arg1: i32, %arg2: memref<64x128xi32, #tpu.memory_space<hbm>>, %arg3: memref<1000000x128xf32, #tpu.memory_space<hbm>>, %arg4: memref<8192x128xf32, #tpu.memory_space<hbm>>, %arg5: memref<2x128xi32, #tpu.memory_space<vmem>>, %arg6: memref<256x128xf32, #tpu.memory_space<vmem>>, %arg7: memref<!tpu.dma_semaphore, #tpu.memory_space<semaphore_mem>>) attributes {dimension_semantics = [#tpu.dimension_semantics<core_parallel>, #tpu.dimension_semantics<subcore_parallel>], iteration_bounds = array<i64: 2, 16>, scalar_prefetch = 0 : i64, scratch_operands = 3 : i64, tpu.core_type = #tpu.core_type<sc_vector_subcore>, window_params = [{transform_indices = #map}, {transform_indices = #map}, {transform_indices = #map}]} {
    %mul3A = arith.constant 2 : i32
    %mul3A_0 = arith.muli %arg1, %mul3A : i32
    %add3A = arith.addi %mul3A_0, %arg0 : i32
    %mul3A_1 = arith.constant 2 : i32
    %mul3A_2 = arith.muli %add3A, %mul3A_1 : i32
    "tpu.region"() ({
      %run_scoped3A = tpu.sem_alloc : memref<!tpu.dma_semaphore, #tpu.memory_space<semaphore_mem>>
      %dma_start3A_43 = arith.constant 0 : i32
      %dma_start3A_44 = tpu.memref_slice %arg2[%mul3A_2, %dma_start3A_43] : memref<64x128xi32, #tpu.memory_space<hbm>> -> memref<2x128xi32, #tpu.memory_space<hbm>>
      %dma_start3A_45 = arith.constant 0 : i32
      %dma_start3A_46 = tpu.memref_slice %arg2[%mul3A_2, %dma_start3A_45] : memref<64x128xi32, #tpu.memory_space<hbm>> -> memref<2x128xi32, #tpu.memory_space<hbm>>
      tpu.enqueue_dma source(%dma_start3A_46 : memref<2x128xi32, #tpu.memory_space<hbm>>) target(%arg5 : memref<2x128xi32, #tpu.memory_space<vmem>>) target_semaphore(%run_scoped3A : memref<!tpu.dma_semaphore, #tpu.memory_space<semaphore_mem>>)
      %dma_wait3A_47 = arith.constant 0 : i32
      %dma_wait3A_48 = tpu.memref_slice %arg2[%mul3A_2, %dma_wait3A_47] : memref<64x128xi32, #tpu.memory_space<hbm>> -> memref<2x128xi32, #tpu.memory_space<hbm>>
      %dma_wait3A_49 = arith.constant 0 : i32
      %dma_wait3A_50 = tpu.memref_slice %arg2[%mul3A_2, %dma_wait3A_49] : memref<64x128xi32, #tpu.memory_space<hbm>> -> memref<2x128xi32, #tpu.memory_space<hbm>>
      tpu.wait_dma2 semaphore(%run_scoped3A : memref<!tpu.dma_semaphore, #tpu.memory_space<semaphore_mem>>) src(%dma_wait3A_50 : memref<2x128xi32, #tpu.memory_space<hbm>>) dst(%arg5 : memref<2x128xi32, #tpu.memory_space<vmem>>)
      tpu.yield
    }) : () -> ()
    %dma_start3A = arith.constant 0 : i32
    %dma_start3A_3 = arith.constant 0 : i32
    %dma_start3A_4 = arith.constant 0 : i32
    %dma_start3A_5 = tpu.memref_slice %arg6[%dma_start3A_3, %dma_start3A_4] : memref<256x128xf32, #tpu.memory_space<vmem>> -> memref<128x128xf32, #tpu.memory_space<vmem>>
    %dma_start3A_6 = arith.constant 0 : i32
    %dma_start3A_7 = tpu.memref_slice %arg5[%dma_start3A, %dma_start3A_6] : memref<2x128xi32, #tpu.memory_space<vmem>> -> memref<1x128xi32, #tpu.memory_space<vmem>>
    %dma_start3A_8 = tpu.memref_squeeze %dma_start3A_7 : memref<1x128xi32, #tpu.memory_space<vmem>> -> memref<128xi32, #tpu.memory_space<vmem>>
    %dma_start3A_9 = arith.constant 0 : i32
    %dma_start3A_10 = arith.constant 0 : i32
    %dma_start3A_11 = tpu.memref_slice %arg3[%dma_start3A_9, %dma_start3A_10] : memref<1000000x128xf32, #tpu.memory_space<hbm>> -> memref<1000000x128xf32, #tpu.memory_space<hbm>>
    tpu.enqueue_indirect_dma source(%dma_start3A_11 : memref<1000000x128xf32, #tpu.memory_space<hbm>>) target(%dma_start3A_5 : memref<128x128xf32, #tpu.memory_space<vmem>>) offsets(%dma_start3A_8 : memref<128xi32, #tpu.memory_space<vmem>>) semaphore(%arg7 : memref<!tpu.dma_semaphore, #tpu.memory_space<semaphore_mem>>)
    %dma_start3A_12 = arith.constant 1 : i32
    %dma_start3A_13 = arith.constant 128 : i32
    %dma_start3A_14 = arith.constant 0 : i32
    %dma_start3A_15 = tpu.memref_slice %arg6[%dma_start3A_13, %dma_start3A_14] : memref<256x128xf32, #tpu.memory_space<vmem>> -> memref<128x128xf32, #tpu.memory_space<vmem>>
    %dma_start3A_16 = arith.constant 0 : i32
    %dma_start3A_17 = tpu.memref_slice %arg5[%dma_start3A_12, %dma_start3A_16] : memref<2x128xi32, #tpu.memory_space<vmem>> -> memref<1x128xi32, #tpu.memory_space<vmem>>
    %dma_start3A_18 = tpu.memref_squeeze %dma_start3A_17 : memref<1x128xi32, #tpu.memory_space<vmem>> -> memref<128xi32, #tpu.memory_space<vmem>>
    %dma_start3A_19 = arith.constant 0 : i32
    %dma_start3A_20 = arith.constant 0 : i32
    %dma_start3A_21 = tpu.memref_slice %arg3[%dma_start3A_19, %dma_start3A_20] : memref<1000000x128xf32, #tpu.memory_space<hbm>> -> memref<1000000x128xf32, #tpu.memory_space<hbm>>
    tpu.enqueue_indirect_dma source(%dma_start3A_21 : memref<1000000x128xf32, #tpu.memory_space<hbm>>) target(%dma_start3A_15 : memref<128x128xf32, #tpu.memory_space<vmem>>) offsets(%dma_start3A_18 : memref<128xi32, #tpu.memory_space<vmem>>) semaphore(%arg7 : memref<!tpu.dma_semaphore, #tpu.memory_space<semaphore_mem>>)
    %dma_wait3A = arith.constant 0 : i32
    %dma_wait3A_22 = arith.constant 0 : i32
    %dma_wait3A_23 = arith.constant 0 : i32
    %dma_wait3A_24 = tpu.memref_slice %arg6[%dma_wait3A_22, %dma_wait3A_23] : memref<256x128xf32, #tpu.memory_space<vmem>> -> memref<128x128xf32, #tpu.memory_space<vmem>>
    %dma_wait3A_25 = arith.constant 0 : i32
    %dma_wait3A_26 = tpu.memref_slice %arg5[%dma_wait3A, %dma_wait3A_25] : memref<2x128xi32, #tpu.memory_space<vmem>> -> memref<1x128xi32, #tpu.memory_space<vmem>>
    %dma_wait3A_27 = tpu.memref_squeeze %dma_wait3A_26 : memref<1x128xi32, #tpu.memory_space<vmem>> -> memref<128xi32, #tpu.memory_space<vmem>>
    %dma_wait3A_28 = arith.constant 0 : i32
    %dma_wait3A_29 = arith.constant 0 : i32
    %dma_wait3A_30 = tpu.memref_slice %arg3[%dma_wait3A_28, %dma_wait3A_29] : memref<1000000x128xf32, #tpu.memory_space<hbm>> -> memref<1000000x128xf32, #tpu.memory_space<hbm>>
    tpu.wait_indirect_dma semaphore(%arg7 : memref<!tpu.dma_semaphore, #tpu.memory_space<semaphore_mem>>) src(%dma_wait3A_30 : memref<1000000x128xf32, #tpu.memory_space<hbm>>) dst(%dma_wait3A_24 : memref<128x128xf32, #tpu.memory_space<vmem>>)
    %dma_wait3A_31 = arith.constant 1 : i32
    %dma_wait3A_32 = arith.constant 128 : i32
    %dma_wait3A_33 = arith.constant 0 : i32
    %dma_wait3A_34 = tpu.memref_slice %arg6[%dma_wait3A_32, %dma_wait3A_33] : memref<256x128xf32, #tpu.memory_space<vmem>> -> memref<128x128xf32, #tpu.memory_space<vmem>>
    %dma_wait3A_35 = arith.constant 0 : i32
    %dma_wait3A_36 = tpu.memref_slice %arg5[%dma_wait3A_31, %dma_wait3A_35] : memref<2x128xi32, #tpu.memory_space<vmem>> -> memref<1x128xi32, #tpu.memory_space<vmem>>
    %dma_wait3A_37 = tpu.memref_squeeze %dma_wait3A_36 : memref<1x128xi32, #tpu.memory_space<vmem>> -> memref<128xi32, #tpu.memory_space<vmem>>
    %dma_wait3A_38 = arith.constant 0 : i32
    %dma_wait3A_39 = arith.constant 0 : i32
    %dma_wait3A_40 = tpu.memref_slice %arg3[%dma_wait3A_38, %dma_wait3A_39] : memref<1000000x128xf32, #tpu.memory_space<hbm>> -> memref<1000000x128xf32, #tpu.memory_space<hbm>>
    tpu.wait_indirect_dma semaphore(%arg7 : memref<!tpu.dma_semaphore, #tpu.memory_space<semaphore_mem>>) src(%dma_wait3A_40 : memref<1000000x128xf32, #tpu.memory_space<hbm>>) dst(%dma_wait3A_34 : memref<128x128xf32, #tpu.memory_space<vmem>>)
    %mul3A_41 = arith.constant 256 : i32
    %mul3A_42 = arith.muli %add3A, %mul3A_41 : i32
    "tpu.region"() ({
      %run_scoped3A = tpu.sem_alloc : memref<!tpu.dma_semaphore, #tpu.memory_space<semaphore_mem>>
      %dma_start3A_43 = arith.constant 0 : i32
      %dma_start3A_44 = tpu.memref_slice %arg4[%mul3A_42, %dma_start3A_43] : memref<8192x128xf32, #tpu.memory_space<hbm>> -> memref<256x128xf32, #tpu.memory_space<hbm>>
      %dma_start3A_45 = arith.constant 0 : i32
      %dma_start3A_46 = tpu.memref_slice %arg4[%mul3A_42, %dma_start3A_45] : memref<8192x128xf32, #tpu.memory_space<hbm>> -> memref<256x128xf32, #tpu.memory_space<hbm>>
      tpu.enqueue_dma source(%arg6 : memref<256x128xf32, #tpu.memory_space<vmem>>) target(%dma_start3A_46 : memref<256x128xf32, #tpu.memory_space<hbm>>) target_semaphore(%run_scoped3A : memref<!tpu.dma_semaphore, #tpu.memory_space<semaphore_mem>>)
      %dma_wait3A_47 = arith.constant 0 : i32
      %dma_wait3A_48 = tpu.memref_slice %arg4[%mul3A_42, %dma_wait3A_47] : memref<8192x128xf32, #tpu.memory_space<hbm>> -> memref<256x128xf32, #tpu.memory_space<hbm>>
      %dma_wait3A_49 = arith.constant 0 : i32
      %dma_wait3A_50 = tpu.memref_slice %arg4[%mul3A_42, %dma_wait3A_49] : memref<8192x128xf32, #tpu.memory_space<hbm>> -> memref<256x128xf32, #tpu.memory_space<hbm>>
      tpu.wait_dma2 semaphore(%run_scoped3A : memref<!tpu.dma_semaphore, #tpu.memory_space<semaphore_mem>>) src(%arg6 : memref<256x128xf32, #tpu.memory_space<vmem>>) dst(%dma_wait3A_50 : memref<256x128xf32, #tpu.memory_space<hbm>>)
      tpu.yield
    }) : () -> ()
    return
  }
}

module attributes {stable_mosaic.version = 14 : i64} {
  func.func @_mega_body(%arg0: i32, %arg1: memref<1x2048x128xf32, #tpu.memory_space<vmem>>, %arg2: memref<1x320x128xf32, #tpu.memory_space<vmem>>, %arg3: memref<128x384xf32, #tpu.memory_space<vmem>>, %arg4: memref<1x384xf32, #tpu.memory_space<vmem>>, %arg5: memref<128x128xf32, #tpu.memory_space<vmem>>, %arg6: memref<1x128xf32, #tpu.memory_space<vmem>>, %arg7: memref<1x128xf32, #tpu.memory_space<vmem>>, %arg8: memref<2048x128xf32, #tpu.memory_space<vmem>>, %arg9: memref<2048x128xf32, #tpu.memory_space<vmem>>, %arg10: memref<2368x128xbf16, #tpu.memory_space<vmem>>, %arg11: memref<128x128xf32, #tpu.memory_space<vmem>>, %arg12: memref<1x128xf32, #tpu.memory_space<vmem>>, %arg13: memref<1x128xf32, #tpu.memory_space<vmem>>, %arg14: memref<1x128xf32, #tpu.memory_space<vmem>>, %arg15: memref<128x512xf32, #tpu.memory_space<vmem>>, %arg16: memref<1x512xf32, #tpu.memory_space<vmem>>, %arg17: memref<512x128xf32, #tpu.memory_space<vmem>>, %arg18: memref<1x128xf32, #tpu.memory_space<vmem>>, %arg19: memref<1x128xf32, #tpu.memory_space<vmem>>, %arg20: memref<1x128xf32, #tpu.memory_space<vmem>>, %arg21: memref<1x2048x128xf32, #tpu.memory_space<vmem>>) attributes {dimension_semantics = [#tpu.dimension_semantics<arbitrary>], iteration_bounds = array<i64: 4>, scalar_prefetch = 0 : i64, scratch_operands = 0 : i64, tpu.core_type = #tpu.core_type<tc>, window_params = [{transform_indices = @transform_0, window_bounds = array<i64: 1, 2048, 128>}, {transform_indices = @transform_1, window_bounds = array<i64: 1, 320, 128>}, {pipeline_mode = #tpu.pipeline_mode<synchronous>, transform_indices = @transform_2, window_bounds = array<i64: 128, 384>}, {pipeline_mode = #tpu.pipeline_mode<synchronous>, transform_indices = @transform_3, window_bounds = array<i64: 1, 384>}, {pipeline_mode = #tpu.pipeline_mode<synchronous>, transform_indices = @transform_4, window_bounds = array<i64: 128, 128>}, {pipeline_mode = #tpu.pipeline_mode<synchronous>, transform_indices = @transform_5, window_bounds = array<i64: 1, 128>}, {pipeline_mode = #tpu.pipeline_mode<synchronous>, transform_indices = @transform_6, window_bounds = array<i64: 1, 128>}, {pipeline_mode = #tpu.pipeline_mode<synchronous>, transform_indices = @transform_7, window_bounds = array<i64: 2048, 128>}, {pipeline_mode = #tpu.pipeline_mode<synchronous>, transform_indices = @transform_8, window_bounds = array<i64: 2048, 128>}, {pipeline_mode = #tpu.pipeline_mode<synchronous>, transform_indices = @transform_9, window_bounds = array<i64: 2368, 128>}, {pipeline_mode = #tpu.pipeline_mode<synchronous>, transform_indices = @transform_10, window_bounds = array<i64: 128, 128>}, {pipeline_mode = #tpu.pipeline_mode<synchronous>, transform_indices = @transform_11, window_bounds = array<i64: 1, 128>}, {pipeline_mode = #tpu.pipeline_mode<synchronous>, transform_indices = @transform_12, window_bounds = array<i64: 1, 128>}, {pipeline_mode = #tpu.pipeline_mode<synchronous>, transform_indices = @transform_13, window_bounds = array<i64: 1, 128>}, {pipeline_mode = #tpu.pipeline_mode<synchronous>, transform_indices = @transform_14, window_bounds = array<i64: 128, 512>}, {pipeline_mode = #tpu.pipeline_mode<synchronous>, transform_indices = @transform_15, window_bounds = array<i64: 1, 512>}, {pipeline_mode = #tpu.pipeline_mode<synchronous>, transform_indices = @transform_16, window_bounds = array<i64: 512, 128>}, {pipeline_mode = #tpu.pipeline_mode<synchronous>, transform_indices = @transform_17, window_bounds = array<i64: 1, 128>}, {pipeline_mode = #tpu.pipeline_mode<synchronous>, transform_indices = @transform_18, window_bounds = array<i64: 1, 128>}, {pipeline_mode = #tpu.pipeline_mode<synchronous>, transform_indices = @transform_19, window_bounds = array<i64: 1, 128>}, {transform_indices = @transform_20, window_bounds = array<i64: 1, 2048, 128>}]} {
    %get3A = arith.constant 0 : index
    %get3A_0 = arith.constant 0 : index
    %get3A_1 = arith.constant 0 : index
    %get3A_2 = vector.load %arg1[%get3A, %get3A_0, %get3A_1] : memref<1x2048x128xf32, #tpu.memory_space<vmem>>, vector<1x2048x128xf32>
    %get3A_3 = vector.shape_cast %get3A_2 : vector<1x2048x128xf32> to vector<2048x128xf32>
    %mul3A = arith.constant 11.3137083 : f32
    %mul3A_4 = vector.broadcast %mul3A : f32 to vector<2048x128xf32>
    %mul3A_5 = arith.mulf %get3A_3, %mul3A_4 : vector<2048x128xf32>
    %get3A_6 = arith.constant 0 : index
    %get3A_7 = arith.constant 0 : index
    %get3A_8 = arith.constant 0 : index
    %get3A_9 = vector.load %arg2[%get3A_6, %get3A_7, %get3A_8] : memref<1x320x128xf32, #tpu.memory_space<vmem>>, vector<1x320x128xf32>
    %get3A_10 = vector.shape_cast %get3A_9 : vector<1x320x128xf32> to vector<320x128xf32>
    %get3A_11 = arith.constant 0 : index
    %get3A_12 = arith.constant 0 : index
    %get3A_13 = vector.load %arg3[%get3A_11, %get3A_12] : memref<128x384xf32, #tpu.memory_space<vmem>>, vector<128x384xf32>
    %slice3A = vector.extract_strided_slice %get3A_13 {offsets = [0, 0], sizes = [128, 128], strides = [1, 1]} : vector<128x384xf32> to vector<128x128xf32>
    %dot_general3A = arith.constant dense<0.000000e+00> : vector<2048x128xf32>
    %dot_general3A_14 = tpu.matmul %mul3A_5, %slice3A, %dot_general3A {dimension_numbers = #tpu.dot_dimension_numbers<[1], [0], [0], [1], [0, 0, 1, 1], [], []>, transpose_lhs_hint = false} : vector<2048x128xf32>, vector<128x128xf32>, vector<2048x128xf32> -> vector<2048x128xf32>
    %get3A_15 = arith.constant 0 : index
    %get3A_16 = arith.constant 0 : index
    %get3A_17 = vector.load %arg4[%get3A_15, %get3A_16] : memref<1x384xf32, #tpu.memory_space<vmem>>, vector<1x128xf32>
    %add3A = vector.broadcast %get3A_17 : vector<1x128xf32> to vector<2048x128xf32>
    %add3A_18 = arith.addf %dot_general3A_14, %add3A : vector<2048x128xf32>
    %slice3A_19 = vector.extract_strided_slice %get3A_13 {offsets = [0, 128], sizes = [128, 128], strides = [1, 1]} : vector<128x384xf32> to vector<128x128xf32>
    %dot_general3A_20 = arith.constant dense<0.000000e+00> : vector<2048x128xf32>
    %dot_general3A_21 = tpu.matmul %mul3A_5, %slice3A_19, %dot_general3A_20 {dimension_numbers = #tpu.dot_dimension_numbers<[1], [0], [0], [1], [0, 0, 1, 1], [], []>, transpose_lhs_hint = false} : vector<2048x128xf32>, vector<128x128xf32>, vector<2048x128xf32> -> vector<2048x128xf32>
    %get3A_22 = arith.constant 0 : index
    %get3A_23 = arith.constant 128 : index
    %get3A_24 = vector.load %arg4[%get3A_22, %get3A_23] : memref<1x384xf32, #tpu.memory_space<vmem>>, vector<1x128xf32>
    %add3A_25 = vector.broadcast %get3A_24 : vector<1x128xf32> to vector<2048x128xf32>
    %add3A_26 = arith.addf %dot_general3A_21, %add3A_25 : vector<2048x128xf32>
    %slice3A_27 = vector.extract_strided_slice %get3A_13 {offsets = [0, 128], sizes = [128, 128], strides = [1, 1]} : vector<128x384xf32> to vector<128x128xf32>
    %dot_general3A_28 = arith.constant dense<0.000000e+00> : vector<320x128xf32>
    %dot_general3A_29 = tpu.matmul %get3A_10, %slice3A_27, %dot_general3A_28 {dimension_numbers = #tpu.dot_dimension_numbers<[1], [0], [0], [1], [0, 0, 1, 1], [], []>, transpose_lhs_hint = false} : vector<320x128xf32>, vector<128x128xf32>, vector<320x128xf32> -> vector<320x128xf32>
    %get3A_30 = arith.constant 0 : index
    %get3A_31 = arith.constant 128 : index
    %get3A_32 = vector.load %arg4[%get3A_30, %get3A_31] : memref<1x384xf32, #tpu.memory_space<vmem>>, vector<1x128xf32>
    %add3A_33 = vector.broadcast %get3A_32 : vector<1x128xf32> to vector<320x128xf32>
    %add3A_34 = arith.addf %dot_general3A_29, %add3A_33 : vector<320x128xf32>
    %slice3A_35 = vector.extract_strided_slice %get3A_13 {offsets = [0, 256], sizes = [128, 128], strides = [1, 1]} : vector<128x384xf32> to vector<128x128xf32>
    %dot_general3A_36 = arith.constant dense<0.000000e+00> : vector<2048x128xf32>
    %dot_general3A_37 = tpu.matmul %mul3A_5, %slice3A_35, %dot_general3A_36 {dimension_numbers = #tpu.dot_dimension_numbers<[1], [0], [0], [1], [0, 0, 1, 1], [], []>, transpose_lhs_hint = false} : vector<2048x128xf32>, vector<128x128xf32>, vector<2048x128xf32> -> vector<2048x128xf32>
    %get3A_38 = arith.constant 0 : index
    %get3A_39 = arith.constant 256 : index
    %get3A_40 = vector.load %arg4[%get3A_38, %get3A_39] : memref<1x384xf32, #tpu.memory_space<vmem>>, vector<1x128xf32>
    %add3A_41 = vector.broadcast %get3A_40 : vector<1x128xf32> to vector<2048x128xf32>
    %add3A_42 = arith.addf %dot_general3A_37, %add3A_41 : vector<2048x128xf32>
    %slice3A_43 = vector.extract_strided_slice %get3A_13 {offsets = [0, 256], sizes = [128, 128], strides = [1, 1]} : vector<128x384xf32> to vector<128x128xf32>
    %dot_general3A_44 = arith.constant dense<0.000000e+00> : vector<320x128xf32>
    %dot_general3A_45 = tpu.matmul %get3A_10, %slice3A_43, %dot_general3A_44 {dimension_numbers = #tpu.dot_dimension_numbers<[1], [0], [0], [1], [0, 0, 1, 1], [], []>, transpose_lhs_hint = false} : vector<320x128xf32>, vector<128x128xf32>, vector<320x128xf32> -> vector<320x128xf32>
    %get3A_46 = arith.constant 0 : index
    %get3A_47 = arith.constant 256 : index
    %get3A_48 = vector.load %arg4[%get3A_46, %get3A_47] : memref<1x384xf32, #tpu.memory_space<vmem>>, vector<1x128xf32>
    %add3A_49 = vector.broadcast %get3A_48 : vector<1x128xf32> to vector<320x128xf32>
    %add3A_50 = arith.addf %dot_general3A_45, %add3A_49 : vector<320x128xf32>
    %get3A_51 = arith.constant 0 : index
    %get3A_52 = arith.constant 0 : index
    %get3A_53 = vector.load %arg7[%get3A_51, %get3A_52] : memref<1x128xf32, #tpu.memory_space<vmem>>, vector<1x128xf32>
    %add3A_54 = vector.broadcast %get3A_53 : vector<1x128xf32> to vector<2048x128xf32>
    %add3A_55 = arith.addf %add3A_18, %add3A_54 : vector<2048x128xf32>
    %get3A_56 = arith.constant 0 : index
    %get3A_57 = arith.constant 0 : index
    %get3A_58 = vector.load %arg8[%get3A_56, %get3A_57] : memref<2048x128xf32, #tpu.memory_space<vmem>>, vector<2048x128xf32>
    %get3A_59 = arith.constant 0 : index
    %get3A_60 = arith.constant 0 : index
    %get3A_61 = vector.load %arg9[%get3A_59, %get3A_60] : memref<2048x128xf32, #tpu.memory_space<vmem>>, vector<2048x128xf32>
    %get3A_62 = arith.constant 0 : index
    %get3A_63 = arith.constant 0 : index
    %get3A_64 = vector.load %arg10[%get3A_62, %get3A_63] : memref<2368x128xbf16, #tpu.memory_space<vmem>>, vector<2368x128xbf16>
    %broadcast_in_dim3A = arith.constant 1.000000e+00 : bf16
    %broadcast_in_dim3A_65 = vector.broadcast %broadcast_in_dim3A : bf16 to vector<2368x8xbf16>
    %slice3A_66 = vector.extract_strided_slice %add3A_55 {offsets = [0, 0], sizes = [2048, 32], strides = [1, 1]} : vector<2048x128xf32> to vector<2048x32xf32>
    %get3A_67 = arith.constant 0 : index
    %get3A_68 = arith.constant 0 : index
    %get3A_69 = vector.load %arg5[%get3A_67, %get3A_68] : memref<128x128xf32, #tpu.memory_space<vmem>>, vector<128x32xf32>
    %dot_general3A_70 = arith.constant dense<0.000000e+00> : vector<2048x128xf32>
    %dot_general3A_71 = tpu.matmul %slice3A_66, %get3A_69, %dot_general3A_70 {dimension_numbers = #tpu.dot_dimension_numbers<[1], [1], [0], [0], [0, 0, 1, 0], [], []>, transpose_lhs_hint = false} : vector<2048x32xf32>, vector<128x32xf32>, vector<2048x128xf32> -> vector<2048x128xf32>
    %slice3A_72 = vector.extract_strided_slice %dot_general3A_71 {offsets = [0, 64], sizes = [2048, 64], strides = [1, 1]} : vector<2048x128xf32> to vector<2048x64xf32>
    %slice3A_73 = vector.extract_strided_slice %dot_general3A_71 {offsets = [0, 0], sizes = [2048, 64], strides = [1, 1]} : vector<2048x128xf32> to vector<2048x64xf32>
    %concatenate3A = tpu.concatenate %slice3A_72, %slice3A_73 in 1 : vector<2048x64xf32>, vector<2048x64xf32> -> vector<2048x128xf32>
    %mul3A_74 = arith.mulf %dot_general3A_71, %get3A_58 : vector<2048x128xf32>
    %mul3A_75 = arith.mulf %concatenate3A, %get3A_61 : vector<2048x128xf32>
    %add3A_76 = arith.addf %mul3A_74, %mul3A_75 : vector<2048x128xf32>
    %mul3A_77 = arith.constant 0.176776692 : f32
    %mul3A_78 = vector.broadcast %mul3A_77 : f32 to vector<2048x128xf32>
    %mul3A_79 = arith.mulf %add3A_76, %mul3A_78 : vector<2048x128xf32>
    %slice3A_80 = vector.extract_strided_slice %add3A_18 {offsets = [0, 0], sizes = [2048, 32], strides = [1, 1]} : vector<2048x128xf32> to vector<2048x32xf32>
    %get3A_81 = arith.constant 0 : index
    %get3A_82 = arith.constant 0 : index
    %get3A_83 = vector.load %arg6[%get3A_81, %get3A_82] : memref<1x128xf32, #tpu.memory_space<vmem>>, vector<1x32xf32>
    %add3A_84 = vector.broadcast %get3A_83 : vector<1x32xf32> to vector<2048x32xf32>
    %add3A_85 = arith.addf %slice3A_80, %add3A_84 : vector<2048x32xf32>
    %mul3A_86 = arith.constant 0.176776692 : f32
    %mul3A_87 = vector.broadcast %mul3A_86 : f32 to vector<2048x32xf32>
    %mul3A_88 = arith.mulf %add3A_85, %mul3A_87 : vector<2048x32xf32>
    %convert_element_type3A = arith.truncf %mul3A_88 : vector<2048x32xf32> to vector<2048x32xbf16>
    %convert_element_type3A_89 = arith.truncf %mul3A_79 : vector<2048x128xf32> to vector<2048x128xbf16>
    %concatenate3A_90 = tpu.concatenate %convert_element_type3A, %convert_element_type3A_89 in 1 : vector<2048x32xbf16>, vector<2048x128xbf16> -> vector<2048x160xbf16>
    %slice3A_91 = vector.extract_strided_slice %add3A_34 {offsets = [0, 0], sizes = [320, 32], strides = [1, 1]} : vector<320x128xf32> to vector<320x32xf32>
    %slice3A_92 = vector.extract_strided_slice %add3A_26 {offsets = [0, 0], sizes = [2048, 32], strides = [1, 1]} : vector<2048x128xf32> to vector<2048x32xf32>
    %concatenate3A_93 = tpu.concatenate %slice3A_91, %slice3A_92 in 0 : vector<320x32xf32>, vector<2048x32xf32> -> vector<2368x32xf32>
    %convert_element_type3A_94 = arith.truncf %concatenate3A_93 : vector<2368x32xf32> to vector<2368x32xbf16>
    %slice3A_95 = vector.extract_strided_slice %add3A_50 {offsets = [0, 0], sizes = [320, 32], strides = [1, 1]} : vector<320x128xf32> to vector<320x32xf32>
    %slice3A_96 = vector.extract_strided_slice %add3A_42 {offsets = [0, 0], sizes = [2048, 32], strides = [1, 1]} : vector<2048x128xf32> to vector<2048x32xf32>
    %concatenate3A_97 = tpu.concatenate %slice3A_95, %slice3A_96 in 0 : vector<320x32xf32>, vector<2048x32xf32> -> vector<2368x32xf32>
    %convert_element_type3A_98 = arith.truncf %concatenate3A_97 : vector<2368x32xf32> to vector<2368x32xbf16>
    %concatenate3A_99 = tpu.concatenate %convert_element_type3A_94, %get3A_64 in 1 : vector<2368x32xbf16>, vector<2368x128xbf16> -> vector<2368x160xbf16>
    %concatenate3A_100 = tpu.concatenate %convert_element_type3A_98, %broadcast_in_dim3A_65 in 1 : vector<2368x32xbf16>, vector<2368x8xbf16> -> vector<2368x40xbf16>
    %slice3A_101 = vector.extract_strided_slice %add3A_55 {offsets = [0, 32], sizes = [2048, 32], strides = [1, 1]} : vector<2048x128xf32> to vector<2048x32xf32>
    %get3A_102 = arith.constant 0 : index
    %get3A_103 = arith.constant 32 : index
    %get3A_104 = vector.load %arg5[%get3A_102, %get3A_103] : memref<128x128xf32, #tpu.memory_space<vmem>>, vector<128x32xf32>
    %dot_general3A_105 = arith.constant dense<0.000000e+00> : vector<2048x128xf32>
    %dot_general3A_106 = tpu.matmul %slice3A_101, %get3A_104, %dot_general3A_105 {dimension_numbers = #tpu.dot_dimension_numbers<[1], [1], [0], [0], [0, 0, 1, 0], [], []>, transpose_lhs_hint = false} : vector<2048x32xf32>, vector<128x32xf32>, vector<2048x128xf32> -> vector<2048x128xf32>
    %slice3A_107 = vector.extract_strided_slice %dot_general3A_106 {offsets = [0, 64], sizes = [2048, 64], strides = [1, 1]} : vector<2048x128xf32> to vector<2048x64xf32>
    %slice3A_108 = vector.extract_strided_slice %dot_general3A_106 {offsets = [0, 0], sizes = [2048, 64], strides = [1, 1]} : vector<2048x128xf32> to vector<2048x64xf32>
    %concatenate3A_109 = tpu.concatenate %slice3A_107, %slice3A_108 in 1 : vector<2048x64xf32>, vector<2048x64xf32> -> vector<2048x128xf32>
    %mul3A_110 = arith.mulf %dot_general3A_106, %get3A_58 : vector<2048x128xf32>
    %mul3A_111 = arith.mulf %concatenate3A_109, %get3A_61 : vector<2048x128xf32>
    %add3A_112 = arith.addf %mul3A_110, %mul3A_111 : vector<2048x128xf32>
    %mul3A_113 = arith.constant 0.176776692 : f32
    %mul3A_114 = vector.broadcast %mul3A_113 : f32 to vector<2048x128xf32>
    %mul3A_115 = arith.mulf %add3A_112, %mul3A_114 : vector<2048x128xf32>
    %slice3A_116 = vector.extract_strided_slice %add3A_18 {offsets = [0, 32], sizes = [2048, 32], strides = [1, 1]} : vector<2048x128xf32> to vector<2048x32xf32>
    %get3A_117 = arith.constant 0 : index
    %get3A_118 = arith.constant 32 : index
    %get3A_119 = vector.load %arg6[%get3A_117, %get3A_118] : memref<1x128xf32, #tpu.memory_space<vmem>>, vector<1x32xf32>
    %add3A_120 = vector.broadcast %get3A_119 : vector<1x32xf32> to vector<2048x32xf32>
    %add3A_121 = arith.addf %slice3A_116, %add3A_120 : vector<2048x32xf32>
    %mul3A_122 = arith.constant 0.176776692 : f32
    %mul3A_123 = vector.broadcast %mul3A_122 : f32 to vector<2048x32xf32>
    %mul3A_124 = arith.mulf %add3A_121, %mul3A_123 : vector<2048x32xf32>
    %convert_element_type3A_125 = arith.truncf %mul3A_124 : vector<2048x32xf32> to vector<2048x32xbf16>
    %convert_element_type3A_126 = arith.truncf %mul3A_115 : vector<2048x128xf32> to vector<2048x128xbf16>
    %concatenate3A_127 = tpu.concatenate %convert_element_type3A_125, %convert_element_type3A_126 in 1 : vector<2048x32xbf16>, vector<2048x128xbf16> -> vector<2048x160xbf16>
    %slice3A_128 = vector.extract_strided_slice %add3A_34 {offsets = [0, 32], sizes = [320, 32], strides = [1, 1]} : vector<320x128xf32> to vector<320x32xf32>
    %slice3A_129 = vector.extract_strided_slice %add3A_26 {offsets = [0, 32], sizes = [2048, 32], strides = [1, 1]} : vector<2048x128xf32> to vector<2048x32xf32>
    %concatenate3A_130 = tpu.concatenate %slice3A_128, %slice3A_129 in 0 : vector<320x32xf32>, vector<2048x32xf32> -> vector<2368x32xf32>
    %convert_element_type3A_131 = arith.truncf %concatenate3A_130 : vector<2368x32xf32> to vector<2368x32xbf16>
    %slice3A_132 = vector.extract_strided_slice %add3A_50 {offsets = [0, 32], sizes = [320, 32], strides = [1, 1]} : vector<320x128xf32> to vector<320x32xf32>
    %slice3A_133 = vector.extract_strided_slice %add3A_42 {offsets = [0, 32], sizes = [2048, 32], strides = [1, 1]} : vector<2048x128xf32> to vector<2048x32xf32>
    %concatenate3A_134 = tpu.concatenate %slice3A_132, %slice3A_133 in 0 : vector<320x32xf32>, vector<2048x32xf32> -> vector<2368x32xf32>
    %convert_element_type3A_135 = arith.truncf %concatenate3A_134 : vector<2368x32xf32> to vector<2368x32xbf16>
    %concatenate3A_136 = tpu.concatenate %convert_element_type3A_131, %get3A_64 in 1 : vector<2368x32xbf16>, vector<2368x128xbf16> -> vector<2368x160xbf16>
    %concatenate3A_137 = tpu.concatenate %convert_element_type3A_135, %broadcast_in_dim3A_65 in 1 : vector<2368x32xbf16>, vector<2368x8xbf16> -> vector<2368x40xbf16>
    %slice3A_138 = vector.extract_strided_slice %add3A_55 {offsets = [0, 64], sizes = [2048, 32], strides = [1, 1]} : vector<2048x128xf32> to vector<2048x32xf32>
    %get3A_139 = arith.constant 0 : index
    %get3A_140 = arith.constant 64 : index
    %get3A_141 = vector.load %arg5[%get3A_139, %get3A_140] : memref<128x128xf32, #tpu.memory_space<vmem>>, vector<128x32xf32>
    %dot_general3A_142 = arith.constant dense<0.000000e+00> : vector<2048x128xf32>
    %dot_general3A_143 = tpu.matmul %slice3A_138, %get3A_141, %dot_general3A_142 {dimension_numbers = #tpu.dot_dimension_numbers<[1], [1], [0], [0], [0, 0, 1, 0], [], []>, transpose_lhs_hint = false} : vector<2048x32xf32>, vector<128x32xf32>, vector<2048x128xf32> -> vector<2048x128xf32>
    %slice3A_144 = vector.extract_strided_slice %dot_general3A_143 {offsets = [0, 64], sizes = [2048, 64], strides = [1, 1]} : vector<2048x128xf32> to vector<2048x64xf32>
    %slice3A_145 = vector.extract_strided_slice %dot_general3A_143 {offsets = [0, 0], sizes = [2048, 64], strides = [1, 1]} : vector<2048x128xf32> to vector<2048x64xf32>
    %concatenate3A_146 = tpu.concatenate %slice3A_144, %slice3A_145 in 1 : vector<2048x64xf32>, vector<2048x64xf32> -> vector<2048x128xf32>
    %mul3A_147 = arith.mulf %dot_general3A_143, %get3A_58 : vector<2048x128xf32>
    %mul3A_148 = arith.mulf %concatenate3A_146, %get3A_61 : vector<2048x128xf32>
    %add3A_149 = arith.addf %mul3A_147, %mul3A_148 : vector<2048x128xf32>
    %mul3A_150 = arith.constant 0.176776692 : f32
    %mul3A_151 = vector.broadcast %mul3A_150 : f32 to vector<2048x128xf32>
    %mul3A_152 = arith.mulf %add3A_149, %mul3A_151 : vector<2048x128xf32>
    %slice3A_153 = vector.extract_strided_slice %add3A_18 {offsets = [0, 64], sizes = [2048, 32], strides = [1, 1]} : vector<2048x128xf32> to vector<2048x32xf32>
    %get3A_154 = arith.constant 0 : index
    %get3A_155 = arith.constant 64 : index
    %get3A_156 = vector.load %arg6[%get3A_154, %get3A_155] : memref<1x128xf32, #tpu.memory_space<vmem>>, vector<1x32xf32>
    %add3A_157 = vector.broadcast %get3A_156 : vector<1x32xf32> to vector<2048x32xf32>
    %add3A_158 = arith.addf %slice3A_153, %add3A_157 : vector<2048x32xf32>
    %mul3A_159 = arith.constant 0.176776692 : f32
    %mul3A_160 = vector.broadcast %mul3A_159 : f32 to vector<2048x32xf32>
    %mul3A_161 = arith.mulf %add3A_158, %mul3A_160 : vector<2048x32xf32>
    %convert_element_type3A_162 = arith.truncf %mul3A_161 : vector<2048x32xf32> to vector<2048x32xbf16>
    %convert_element_type3A_163 = arith.truncf %mul3A_152 : vector<2048x128xf32> to vector<2048x128xbf16>
    %concatenate3A_164 = tpu.concatenate %convert_element_type3A_162, %convert_element_type3A_163 in 1 : vector<2048x32xbf16>, vector<2048x128xbf16> -> vector<2048x160xbf16>
    %slice3A_165 = vector.extract_strided_slice %add3A_34 {offsets = [0, 64], sizes = [320, 32], strides = [1, 1]} : vector<320x128xf32> to vector<320x32xf32>
    %slice3A_166 = vector.extract_strided_slice %add3A_26 {offsets = [0, 64], sizes = [2048, 32], strides = [1, 1]} : vector<2048x128xf32> to vector<2048x32xf32>
    %concatenate3A_167 = tpu.concatenate %slice3A_165, %slice3A_166 in 0 : vector<320x32xf32>, vector<2048x32xf32> -> vector<2368x32xf32>
    %convert_element_type3A_168 = arith.truncf %concatenate3A_167 : vector<2368x32xf32> to vector<2368x32xbf16>
    %slice3A_169 = vector.extract_strided_slice %add3A_50 {offsets = [0, 64], sizes = [320, 32], strides = [1, 1]} : vector<320x128xf32> to vector<320x32xf32>
    %slice3A_170 = vector.extract_strided_slice %add3A_42 {offsets = [0, 64], sizes = [2048, 32], strides = [1, 1]} : vector<2048x128xf32> to vector<2048x32xf32>
    %concatenate3A_171 = tpu.concatenate %slice3A_169, %slice3A_170 in 0 : vector<320x32xf32>, vector<2048x32xf32> -> vector<2368x32xf32>
    %convert_element_type3A_172 = arith.truncf %concatenate3A_171 : vector<2368x32xf32> to vector<2368x32xbf16>
    %concatenate3A_173 = tpu.concatenate %convert_element_type3A_168, %get3A_64 in 1 : vector<2368x32xbf16>, vector<2368x128xbf16> -> vector<2368x160xbf16>
    %concatenate3A_174 = tpu.concatenate %convert_element_type3A_172, %broadcast_in_dim3A_65 in 1 : vector<2368x32xbf16>, vector<2368x8xbf16> -> vector<2368x40xbf16>
    %slice3A_175 = vector.extract_strided_slice %add3A_55 {offsets = [0, 96], sizes = [2048, 32], strides = [1, 1]} : vector<2048x128xf32> to vector<2048x32xf32>
    %get3A_176 = arith.constant 0 : index
    %get3A_177 = arith.constant 96 : index
    %get3A_178 = vector.load %arg5[%get3A_176, %get3A_177] : memref<128x128xf32, #tpu.memory_space<vmem>>, vector<128x32xf32>
    %dot_general3A_179 = arith.constant dense<0.000000e+00> : vector<2048x128xf32>
    %dot_general3A_180 = tpu.matmul %slice3A_175, %get3A_178, %dot_general3A_179 {dimension_numbers = #tpu.dot_dimension_numbers<[1], [1], [0], [0], [0, 0, 1, 0], [], []>, transpose_lhs_hint = false} : vector<2048x32xf32>, vector<128x32xf32>, vector<2048x128xf32> -> vector<2048x128xf32>
    %slice3A_181 = vector.extract_strided_slice %dot_general3A_180 {offsets = [0, 64], sizes = [2048, 64], strides = [1, 1]} : vector<2048x128xf32> to vector<2048x64xf32>
    %slice3A_182 = vector.extract_strided_slice %dot_general3A_180 {offsets = [0, 0], sizes = [2048, 64], strides = [1, 1]} : vector<2048x128xf32> to vector<2048x64xf32>
    %concatenate3A_183 = tpu.concatenate %slice3A_181, %slice3A_182 in 1 : vector<2048x64xf32>, vector<2048x64xf32> -> vector<2048x128xf32>
    %mul3A_184 = arith.mulf %dot_general3A_180, %get3A_58 : vector<2048x128xf32>
    %mul3A_185 = arith.mulf %concatenate3A_183, %get3A_61 : vector<2048x128xf32>
    %add3A_186 = arith.addf %mul3A_184, %mul3A_185 : vector<2048x128xf32>
    %mul3A_187 = arith.constant 0.176776692 : f32
    %mul3A_188 = vector.broadcast %mul3A_187 : f32 to vector<2048x128xf32>
    %mul3A_189 = arith.mulf %add3A_186, %mul3A_188 : vector<2048x128xf32>
    %slice3A_190 = vector.extract_strided_slice %add3A_18 {offsets = [0, 96], sizes = [2048, 32], strides = [1, 1]} : vector<2048x128xf32> to vector<2048x32xf32>
    %get3A_191 = arith.constant 0 : index
    %get3A_192 = arith.constant 96 : index
    %get3A_193 = vector.load %arg6[%get3A_191, %get3A_192] : memref<1x128xf32, #tpu.memory_space<vmem>>, vector<1x32xf32>
    %add3A_194 = vector.broadcast %get3A_193 : vector<1x32xf32> to vector<2048x32xf32>
    %add3A_195 = arith.addf %slice3A_190, %add3A_194 : vector<2048x32xf32>
    %mul3A_196 = arith.constant 0.176776692 : f32
    %mul3A_197 = vector.broadcast %mul3A_196 : f32 to vector<2048x32xf32>
    %mul3A_198 = arith.mulf %add3A_195, %mul3A_197 : vector<2048x32xf32>
    %convert_element_type3A_199 = arith.truncf %mul3A_198 : vector<2048x32xf32> to vector<2048x32xbf16>
    %convert_element_type3A_200 = arith.truncf %mul3A_189 : vector<2048x128xf32> to vector<2048x128xbf16>
    %concatenate3A_201 = tpu.concatenate %convert_element_type3A_199, %convert_element_type3A_200 in 1 : vector<2048x32xbf16>, vector<2048x128xbf16> -> vector<2048x160xbf16>
    %slice3A_202 = vector.extract_strided_slice %add3A_34 {offsets = [0, 96], sizes = [320, 32], strides = [1, 1]} : vector<320x128xf32> to vector<320x32xf32>
    %slice3A_203 = vector.extract_strided_slice %add3A_26 {offsets = [0, 96], sizes = [2048, 32], strides = [1, 1]} : vector<2048x128xf32> to vector<2048x32xf32>
    %concatenate3A_204 = tpu.concatenate %slice3A_202, %slice3A_203 in 0 : vector<320x32xf32>, vector<2048x32xf32> -> vector<2368x32xf32>
    %convert_element_type3A_205 = arith.truncf %concatenate3A_204 : vector<2368x32xf32> to vector<2368x32xbf16>
    %slice3A_206 = vector.extract_strided_slice %add3A_50 {offsets = [0, 96], sizes = [320, 32], strides = [1, 1]} : vector<320x128xf32> to vector<320x32xf32>
    %slice3A_207 = vector.extract_strided_slice %add3A_42 {offsets = [0, 96], sizes = [2048, 32], strides = [1, 1]} : vector<2048x128xf32> to vector<2048x32xf32>
    %concatenate3A_208 = tpu.concatenate %slice3A_206, %slice3A_207 in 0 : vector<320x32xf32>, vector<2048x32xf32> -> vector<2368x32xf32>
    %convert_element_type3A_209 = arith.truncf %concatenate3A_208 : vector<2368x32xf32> to vector<2368x32xbf16>
    %concatenate3A_210 = tpu.concatenate %convert_element_type3A_205, %get3A_64 in 1 : vector<2368x32xbf16>, vector<2368x128xbf16> -> vector<2368x160xbf16>
    %concatenate3A_211 = tpu.concatenate %convert_element_type3A_209, %broadcast_in_dim3A_65 in 1 : vector<2368x32xbf16>, vector<2368x8xbf16> -> vector<2368x40xbf16>
    %iota3A = tpu.iota {dimensions = array<i32: 1>} : vector<512x512xi32>
    %iota3A_212 = tpu.iota {dimensions = array<i32: 0>} : vector<512x512xi32>
    %le3A = arith.cmpi sle, %iota3A, %iota3A_212 : vector<512x512xi32>
    %slice3A_213 = vector.extract_strided_slice %concatenate3A_90 {offsets = [0, 0], sizes = [512, 160], strides = [1, 1]} : vector<2048x160xbf16> to vector<512x160xbf16>
    %slice3A_214 = vector.extract_strided_slice %concatenate3A_99 {offsets = [0, 0], sizes = [320, 160], strides = [1, 1]} : vector<2368x160xbf16> to vector<320x160xbf16>
    %dot_general3A_215 = arith.constant dense<0.000000e+00> : vector<512x320xf32>
    %dot_general3A_216 = tpu.matmul %slice3A_213, %slice3A_214, %dot_general3A_215 {dimension_numbers = #tpu.dot_dimension_numbers<[1], [1], [0], [0], [0, 0, 1, 0], [], []>, transpose_lhs_hint = false} : vector<512x160xbf16>, vector<320x160xbf16>, vector<512x320xf32> -> vector<512x320xf32>
    %slice3A_217 = vector.extract_strided_slice %concatenate3A_90 {offsets = [0, 0], sizes = [512, 160], strides = [1, 1]} : vector<2048x160xbf16> to vector<512x160xbf16>
    %slice3A_218 = vector.extract_strided_slice %concatenate3A_99 {offsets = [320, 0], sizes = [512, 160], strides = [1, 1]} : vector<2368x160xbf16> to vector<512x160xbf16>
    %dot_general3A_219 = arith.constant dense<0.000000e+00> : vector<512x512xf32>
    %dot_general3A_220 = tpu.matmul %slice3A_217, %slice3A_218, %dot_general3A_219 {dimension_numbers = #tpu.dot_dimension_numbers<[1], [1], [0], [0], [0, 0, 1, 0], [], []>, transpose_lhs_hint = false} : vector<512x160xbf16>, vector<512x160xbf16>, vector<512x512xf32> -> vector<512x512xf32>
    %exp3A = math.exp %dot_general3A_216 : vector<512x320xf32>
    %convert_element_type3A_221 = arith.truncf %exp3A : vector<512x320xf32> to vector<512x320xbf16>
    %exp3A_222 = math.exp %dot_general3A_220 : vector<512x512xf32>
    %jit3A = arith.constant 0.000000e+00 : f32
    %broadcast_in_dim3A_223 = vector.broadcast %jit3A : f32 to vector<512x512xf32>
    %select_n3A = arith.select %le3A, %exp3A_222, %broadcast_in_dim3A_223 : vector<512x512xi1>, vector<512x512xf32>
    %convert_element_type3A_224 = arith.truncf %select_n3A : vector<512x512xf32> to vector<512x512xbf16>
    %slice3A_225 = vector.extract_strided_slice %concatenate3A_100 {offsets = [0, 0], sizes = [320, 40], strides = [1, 1]} : vector<2368x40xbf16> to vector<320x40xbf16>
    %dot_general3A_226 = arith.constant dense<0.000000e+00> : vector<512x40xf32>
    %dot_general3A_227 = tpu.matmul %convert_element_type3A_221, %slice3A_225, %dot_general3A_226 {dimension_numbers = #tpu.dot_dimension_numbers<[1], [0], [0], [1], [0, 0, 1, 1], [], []>, transpose_lhs_hint = false} : vector<512x320xbf16>, vector<320x40xbf16>, vector<512x40xf32> -> vector<512x40xf32>
    %slice3A_228 = vector.extract_strided_slice %concatenate3A_100 {offsets = [320, 0], sizes = [512, 40], strides = [1, 1]} : vector<2368x40xbf16> to vector<512x40xbf16>
    %dot_general3A_229 = arith.constant dense<0.000000e+00> : vector<512x40xf32>
    %dot_general3A_230 = tpu.matmul %convert_element_type3A_224, %slice3A_228, %dot_general3A_229 {dimension_numbers = #tpu.dot_dimension_numbers<[1], [0], [0], [1], [0, 0, 1, 1], [], []>, transpose_lhs_hint = false} : vector<512x512xbf16>, vector<512x40xbf16>, vector<512x40xf32> -> vector<512x40xf32>
    %add3A_231 = arith.addf %dot_general3A_227, %dot_general3A_230 : vector<512x40xf32>
    %slice3A_232 = vector.extract_strided_slice %add3A_231 {offsets = [0, 0], sizes = [512, 32], strides = [1, 1]} : vector<512x40xf32> to vector<512x32xf32>
    %slice3A_233 = vector.extract_strided_slice %add3A_231 {offsets = [0, 32], sizes = [512, 1], strides = [1, 1]} : vector<512x40xf32> to vector<512x1xf32>
    %div3A = arith.constant 1.000000e+00 : f32
    %div3A_234 = vector.broadcast %div3A : f32 to vector<512x1xf32>
    %div3A_235 = arith.divf %div3A_234, %slice3A_233 : vector<512x1xf32>
    %mul3A_236 = vector.broadcast %div3A_235 : vector<512x1xf32> to vector<512x32xf32>
    %mul3A_237 = arith.mulf %slice3A_232, %mul3A_236 : vector<512x32xf32>
    %slice3A_238 = vector.extract_strided_slice %concatenate3A_127 {offsets = [0, 0], sizes = [512, 160], strides = [1, 1]} : vector<2048x160xbf16> to vector<512x160xbf16>
    %slice3A_239 = vector.extract_strided_slice %concatenate3A_136 {offsets = [0, 0], sizes = [320, 160], strides = [1, 1]} : vector<2368x160xbf16> to vector<320x160xbf16>
    %dot_general3A_240 = arith.constant dense<0.000000e+00> : vector<512x320xf32>
    %dot_general3A_241 = tpu.matmul %slice3A_238, %slice3A_239, %dot_general3A_240 {dimension_numbers = #tpu.dot_dimension_numbers<[1], [1], [0], [0], [0, 0, 1, 0], [], []>, transpose_lhs_hint = false} : vector<512x160xbf16>, vector<320x160xbf16>, vector<512x320xf32> -> vector<512x320xf32>
    %slice3A_242 = vector.extract_strided_slice %concatenate3A_127 {offsets = [0, 0], sizes = [512, 160], strides = [1, 1]} : vector<2048x160xbf16> to vector<512x160xbf16>
    %slice3A_243 = vector.extract_strided_slice %concatenate3A_136 {offsets = [320, 0], sizes = [512, 160], strides = [1, 1]} : vector<2368x160xbf16> to vector<512x160xbf16>
    %dot_general3A_244 = arith.constant dense<0.000000e+00> : vector<512x512xf32>
    %dot_general3A_245 = tpu.matmul %slice3A_242, %slice3A_243, %dot_general3A_244 {dimension_numbers = #tpu.dot_dimension_numbers<[1], [1], [0], [0], [0, 0, 1, 0], [], []>, transpose_lhs_hint = false} : vector<512x160xbf16>, vector<512x160xbf16>, vector<512x512xf32> -> vector<512x512xf32>
    %exp3A_246 = math.exp %dot_general3A_241 : vector<512x320xf32>
    %convert_element_type3A_247 = arith.truncf %exp3A_246 : vector<512x320xf32> to vector<512x320xbf16>
    %exp3A_248 = math.exp %dot_general3A_245 : vector<512x512xf32>
    %jit3A_249 = arith.constant 0.000000e+00 : f32
    %broadcast_in_dim3A_250 = vector.broadcast %jit3A_249 : f32 to vector<512x512xf32>
    %select_n3A_251 = arith.select %le3A, %exp3A_248, %broadcast_in_dim3A_250 : vector<512x512xi1>, vector<512x512xf32>
    %convert_element_type3A_252 = arith.truncf %select_n3A_251 : vector<512x512xf32> to vector<512x512xbf16>
    %slice3A_253 = vector.extract_strided_slice %concatenate3A_137 {offsets = [0, 0], sizes = [320, 40], strides = [1, 1]} : vector<2368x40xbf16> to vector<320x40xbf16>
    %dot_general3A_254 = arith.constant dense<0.000000e+00> : vector<512x40xf32>
    %dot_general3A_255 = tpu.matmul %convert_element_type3A_247, %slice3A_253, %dot_general3A_254 {dimension_numbers = #tpu.dot_dimension_numbers<[1], [0], [0], [1], [0, 0, 1, 1], [], []>, transpose_lhs_hint = false} : vector<512x320xbf16>, vector<320x40xbf16>, vector<512x40xf32> -> vector<512x40xf32>
    %slice3A_256 = vector.extract_strided_slice %concatenate3A_137 {offsets = [320, 0], sizes = [512, 40], strides = [1, 1]} : vector<2368x40xbf16> to vector<512x40xbf16>
    %dot_general3A_257 = arith.constant dense<0.000000e+00> : vector<512x40xf32>
    %dot_general3A_258 = tpu.matmul %convert_element_type3A_252, %slice3A_256, %dot_general3A_257 {dimension_numbers = #tpu.dot_dimension_numbers<[1], [0], [0], [1], [0, 0, 1, 1], [], []>, transpose_lhs_hint = false} : vector<512x512xbf16>, vector<512x40xbf16>, vector<512x40xf32> -> vector<512x40xf32>
    %add3A_259 = arith.addf %dot_general3A_255, %dot_general3A_258 : vector<512x40xf32>
    %slice3A_260 = vector.extract_strided_slice %add3A_259 {offsets = [0, 0], sizes = [512, 32], strides = [1, 1]} : vector<512x40xf32> to vector<512x32xf32>
    %slice3A_261 = vector.extract_strided_slice %add3A_259 {offsets = [0, 32], sizes = [512, 1], strides = [1, 1]} : vector<512x40xf32> to vector<512x1xf32>
    %div3A_262 = arith.constant 1.000000e+00 : f32
    %div3A_263 = vector.broadcast %div3A_262 : f32 to vector<512x1xf32>
    %div3A_264 = arith.divf %div3A_263, %slice3A_261 : vector<512x1xf32>
    %mul3A_265 = vector.broadcast %div3A_264 : vector<512x1xf32> to vector<512x32xf32>
    %mul3A_266 = arith.mulf %slice3A_260, %mul3A_265 : vector<512x32xf32>
    %slice3A_267 = vector.extract_strided_slice %concatenate3A_164 {offsets = [0, 0], sizes = [512, 160], strides = [1, 1]} : vector<2048x160xbf16> to vector<512x160xbf16>
    %slice3A_268 = vector.extract_strided_slice %concatenate3A_173 {offsets = [0, 0], sizes = [320, 160], strides = [1, 1]} : vector<2368x160xbf16> to vector<320x160xbf16>
    %dot_general3A_269 = arith.constant dense<0.000000e+00> : vector<512x320xf32>
    %dot_general3A_270 = tpu.matmul %slice3A_267, %slice3A_268, %dot_general3A_269 {dimension_numbers = #tpu.dot_dimension_numbers<[1], [1], [0], [0], [0, 0, 1, 0], [], []>, transpose_lhs_hint = false} : vector<512x160xbf16>, vector<320x160xbf16>, vector<512x320xf32> -> vector<512x320xf32>
    %slice3A_271 = vector.extract_strided_slice %concatenate3A_164 {offsets = [0, 0], sizes = [512, 160], strides = [1, 1]} : vector<2048x160xbf16> to vector<512x160xbf16>
    %slice3A_272 = vector.extract_strided_slice %concatenate3A_173 {offsets = [320, 0], sizes = [512, 160], strides = [1, 1]} : vector<2368x160xbf16> to vector<512x160xbf16>
    %dot_general3A_273 = arith.constant dense<0.000000e+00> : vector<512x512xf32>
    %dot_general3A_274 = tpu.matmul %slice3A_271, %slice3A_272, %dot_general3A_273 {dimension_numbers = #tpu.dot_dimension_numbers<[1], [1], [0], [0], [0, 0, 1, 0], [], []>, transpose_lhs_hint = false} : vector<512x160xbf16>, vector<512x160xbf16>, vector<512x512xf32> -> vector<512x512xf32>
    %exp3A_275 = math.exp %dot_general3A_270 : vector<512x320xf32>
    %convert_element_type3A_276 = arith.truncf %exp3A_275 : vector<512x320xf32> to vector<512x320xbf16>
    %exp3A_277 = math.exp %dot_general3A_274 : vector<512x512xf32>
    %jit3A_278 = arith.constant 0.000000e+00 : f32
    %broadcast_in_dim3A_279 = vector.broadcast %jit3A_278 : f32 to vector<512x512xf32>
    %select_n3A_280 = arith.select %le3A, %exp3A_277, %broadcast_in_dim3A_279 : vector<512x512xi1>, vector<512x512xf32>
    %convert_element_type3A_281 = arith.truncf %select_n3A_280 : vector<512x512xf32> to vector<512x512xbf16>
    %slice3A_282 = vector.extract_strided_slice %concatenate3A_174 {offsets = [0, 0], sizes = [320, 40], strides = [1, 1]} : vector<2368x40xbf16> to vector<320x40xbf16>
    %dot_general3A_283 = arith.constant dense<0.000000e+00> : vector<512x40xf32>
    %dot_general3A_284 = tpu.matmul %convert_element_type3A_276, %slice3A_282, %dot_general3A_283 {dimension_numbers = #tpu.dot_dimension_numbers<[1], [0], [0], [1], [0, 0, 1, 1], [], []>, transpose_lhs_hint = false} : vector<512x320xbf16>, vector<320x40xbf16>, vector<512x40xf32> -> vector<512x40xf32>
    %slice3A_285 = vector.extract_strided_slice %concatenate3A_174 {offsets = [320, 0], sizes = [512, 40], strides = [1, 1]} : vector<2368x40xbf16> to vector<512x40xbf16>
    %dot_general3A_286 = arith.constant dense<0.000000e+00> : vector<512x40xf32>
    %dot_general3A_287 = tpu.matmul %convert_element_type3A_281, %slice3A_285, %dot_general3A_286 {dimension_numbers = #tpu.dot_dimension_numbers<[1], [0], [0], [1], [0, 0, 1, 1], [], []>, transpose_lhs_hint = false} : vector<512x512xbf16>, vector<512x40xbf16>, vector<512x40xf32> -> vector<512x40xf32>
    %add3A_288 = arith.addf %dot_general3A_284, %dot_general3A_287 : vector<512x40xf32>
    %slice3A_289 = vector.extract_strided_slice %add3A_288 {offsets = [0, 0], sizes = [512, 32], strides = [1, 1]} : vector<512x40xf32> to vector<512x32xf32>
    %slice3A_290 = vector.extract_strided_slice %add3A_288 {offsets = [0, 32], sizes = [512, 1], strides = [1, 1]} : vector<512x40xf32> to vector<512x1xf32>
    %div3A_291 = arith.constant 1.000000e+00 : f32
    %div3A_292 = vector.broadcast %div3A_291 : f32 to vector<512x1xf32>
    %div3A_293 = arith.divf %div3A_292, %slice3A_290 : vector<512x1xf32>
    %mul3A_294 = vector.broadcast %div3A_293 : vector<512x1xf32> to vector<512x32xf32>
    %mul3A_295 = arith.mulf %slice3A_289, %mul3A_294 : vector<512x32xf32>
    %slice3A_296 = vector.extract_strided_slice %concatenate3A_201 {offsets = [0, 0], sizes = [512, 160], strides = [1, 1]} : vector<2048x160xbf16> to vector<512x160xbf16>
    %slice3A_297 = vector.extract_strided_slice %concatenate3A_210 {offsets = [0, 0], sizes = [320, 160], strides = [1, 1]} : vector<2368x160xbf16> to vector<320x160xbf16>
    %dot_general3A_298 = arith.constant dense<0.000000e+00> : vector<512x320xf32>
    %dot_general3A_299 = tpu.matmul %slice3A_296, %slice3A_297, %dot_general3A_298 {dimension_numbers = #tpu.dot_dimension_numbers<[1], [1], [0], [0], [0, 0, 1, 0], [], []>, transpose_lhs_hint = false} : vector<512x160xbf16>, vector<320x160xbf16>, vector<512x320xf32> -> vector<512x320xf32>
    %slice3A_300 = vector.extract_strided_slice %concatenate3A_201 {offsets = [0, 0], sizes = [512, 160], strides = [1, 1]} : vector<2048x160xbf16> to vector<512x160xbf16>
    %slice3A_301 = vector.extract_strided_slice %concatenate3A_210 {offsets = [320, 0], sizes = [512, 160], strides = [1, 1]} : vector<2368x160xbf16> to vector<512x160xbf16>
    %dot_general3A_302 = arith.constant dense<0.000000e+00> : vector<512x512xf32>
    %dot_general3A_303 = tpu.matmul %slice3A_300, %slice3A_301, %dot_general3A_302 {dimension_numbers = #tpu.dot_dimension_numbers<[1], [1], [0], [0], [0, 0, 1, 0], [], []>, transpose_lhs_hint = false} : vector<512x160xbf16>, vector<512x160xbf16>, vector<512x512xf32> -> vector<512x512xf32>
    %exp3A_304 = math.exp %dot_general3A_299 : vector<512x320xf32>
    %convert_element_type3A_305 = arith.truncf %exp3A_304 : vector<512x320xf32> to vector<512x320xbf16>
    %exp3A_306 = math.exp %dot_general3A_303 : vector<512x512xf32>
    %jit3A_307 = arith.constant 0.000000e+00 : f32
    %broadcast_in_dim3A_308 = vector.broadcast %jit3A_307 : f32 to vector<512x512xf32>
    %select_n3A_309 = arith.select %le3A, %exp3A_306, %broadcast_in_dim3A_308 : vector<512x512xi1>, vector<512x512xf32>
    %convert_element_type3A_310 = arith.truncf %select_n3A_309 : vector<512x512xf32> to vector<512x512xbf16>
    %slice3A_311 = vector.extract_strided_slice %concatenate3A_211 {offsets = [0, 0], sizes = [320, 40], strides = [1, 1]} : vector<2368x40xbf16> to vector<320x40xbf16>
    %dot_general3A_312 = arith.constant dense<0.000000e+00> : vector<512x40xf32>
    %dot_general3A_313 = tpu.matmul %convert_element_type3A_305, %slice3A_311, %dot_general3A_312 {dimension_numbers = #tpu.dot_dimension_numbers<[1], [0], [0], [1], [0, 0, 1, 1], [], []>, transpose_lhs_hint = false} : vector<512x320xbf16>, vector<320x40xbf16>, vector<512x40xf32> -> vector<512x40xf32>
    %slice3A_314 = vector.extract_strided_slice %concatenate3A_211 {offsets = [320, 0], sizes = [512, 40], strides = [1, 1]} : vector<2368x40xbf16> to vector<512x40xbf16>
    %dot_general3A_315 = arith.constant dense<0.000000e+00> : vector<512x40xf32>
    %dot_general3A_316 = tpu.matmul %convert_element_type3A_310, %slice3A_314, %dot_general3A_315 {dimension_numbers = #tpu.dot_dimension_numbers<[1], [0], [0], [1], [0, 0, 1, 1], [], []>, transpose_lhs_hint = false} : vector<512x512xbf16>, vector<512x40xbf16>, vector<512x40xf32> -> vector<512x40xf32>
    %add3A_317 = arith.addf %dot_general3A_313, %dot_general3A_316 : vector<512x40xf32>
    %slice3A_318 = vector.extract_strided_slice %add3A_317 {offsets = [0, 0], sizes = [512, 32], strides = [1, 1]} : vector<512x40xf32> to vector<512x32xf32>
    %slice3A_319 = vector.extract_strided_slice %add3A_317 {offsets = [0, 32], sizes = [512, 1], strides = [1, 1]} : vector<512x40xf32> to vector<512x1xf32>
    %div3A_320 = arith.constant 1.000000e+00 : f32
    %div3A_321 = vector.broadcast %div3A_320 : f32 to vector<512x1xf32>
    %div3A_322 = arith.divf %div3A_321, %slice3A_319 : vector<512x1xf32>
    %mul3A_323 = vector.broadcast %div3A_322 : vector<512x1xf32> to vector<512x32xf32>
    %mul3A_324 = arith.mulf %slice3A_318, %mul3A_323 : vector<512x32xf32>
    %concatenate3A_325 = tpu.concatenate %mul3A_237, %mul3A_266, %mul3A_295, %mul3A_324 in 1 : vector<512x32xf32>, vector<512x32xf32>, vector<512x32xf32>, vector<512x32xf32> -> vector<512x128xf32>
    %slice3A_326 = vector.extract_strided_slice %concatenate3A_90 {offsets = [512, 0], sizes = [512, 160], strides = [1, 1]} : vector<2048x160xbf16> to vector<512x160xbf16>
    %slice3A_327 = vector.extract_strided_slice %concatenate3A_99 {offsets = [0, 0], sizes = [832, 160], strides = [1, 1]} : vector<2368x160xbf16> to vector<832x160xbf16>
    %dot_general3A_328 = arith.constant dense<0.000000e+00> : vector<512x832xf32>
    %dot_general3A_329 = tpu.matmul %slice3A_326, %slice3A_327, %dot_general3A_328 {dimension_numbers = #tpu.dot_dimension_numbers<[1], [1], [0], [0], [0, 0, 1, 0], [], []>, transpose_lhs_hint = false} : vector<512x160xbf16>, vector<832x160xbf16>, vector<512x832xf32> -> vector<512x832xf32>
    %slice3A_330 = vector.extract_strided_slice %concatenate3A_90 {offsets = [512, 0], sizes = [512, 160], strides = [1, 1]} : vector<2048x160xbf16> to vector<512x160xbf16>
    %slice3A_331 = vector.extract_strided_slice %concatenate3A_99 {offsets = [832, 0], sizes = [512, 160], strides = [1, 1]} : vector<2368x160xbf16> to vector<512x160xbf16>
    %dot_general3A_332 = arith.constant dense<0.000000e+00> : vector<512x512xf32>
    %dot_general3A_333 = tpu.matmul %slice3A_330, %slice3A_331, %dot_general3A_332 {dimension_numbers = #tpu.dot_dimension_numbers<[1], [1], [0], [0], [0, 0, 1, 0], [], []>, transpose_lhs_hint = false} : vector<512x160xbf16>, vector<512x160xbf16>, vector<512x512xf32> -> vector<512x512xf32>
    %exp3A_334 = math.exp %dot_general3A_329 : vector<512x832xf32>
    %convert_element_type3A_335 = arith.truncf %exp3A_334 : vector<512x832xf32> to vector<512x832xbf16>
    %exp3A_336 = math.exp %dot_general3A_333 : vector<512x512xf32>
    %jit3A_337 = arith.constant 0.000000e+00 : f32
    %broadcast_in_dim3A_338 = vector.broadcast %jit3A_337 : f32 to vector<512x512xf32>
    %select_n3A_339 = arith.select %le3A, %exp3A_336, %broadcast_in_dim3A_338 : vector<512x512xi1>, vector<512x512xf32>
    %convert_element_type3A_340 = arith.truncf %select_n3A_339 : vector<512x512xf32> to vector<512x512xbf16>
    %slice3A_341 = vector.extract_strided_slice %concatenate3A_100 {offsets = [0, 0], sizes = [832, 40], strides = [1, 1]} : vector<2368x40xbf16> to vector<832x40xbf16>
    %dot_general3A_342 = arith.constant dense<0.000000e+00> : vector<512x40xf32>
    %dot_general3A_343 = tpu.matmul %convert_element_type3A_335, %slice3A_341, %dot_general3A_342 {dimension_numbers = #tpu.dot_dimension_numbers<[1], [0], [0], [1], [0, 0, 1, 1], [], []>, transpose_lhs_hint = false} : vector<512x832xbf16>, vector<832x40xbf16>, vector<512x40xf32> -> vector<512x40xf32>
    %slice3A_344 = vector.extract_strided_slice %concatenate3A_100 {offsets = [832, 0], sizes = [512, 40], strides = [1, 1]} : vector<2368x40xbf16> to vector<512x40xbf16>
    %dot_general3A_345 = arith.constant dense<0.000000e+00> : vector<512x40xf32>
    %dot_general3A_346 = tpu.matmul %convert_element_type3A_340, %slice3A_344, %dot_general3A_345 {dimension_numbers = #tpu.dot_dimension_numbers<[1], [0], [0], [1], [0, 0, 1, 1], [], []>, transpose_lhs_hint = false} : vector<512x512xbf16>, vector<512x40xbf16>, vector<512x40xf32> -> vector<512x40xf32>
    %add3A_347 = arith.addf %dot_general3A_343, %dot_general3A_346 : vector<512x40xf32>
    %slice3A_348 = vector.extract_strided_slice %add3A_347 {offsets = [0, 0], sizes = [512, 32], strides = [1, 1]} : vector<512x40xf32> to vector<512x32xf32>
    %slice3A_349 = vector.extract_strided_slice %add3A_347 {offsets = [0, 32], sizes = [512, 1], strides = [1, 1]} : vector<512x40xf32> to vector<512x1xf32>
    %div3A_350 = arith.constant 1.000000e+00 : f32
    %div3A_351 = vector.broadcast %div3A_350 : f32 to vector<512x1xf32>
    %div3A_352 = arith.divf %div3A_351, %slice3A_349 : vector<512x1xf32>
    %mul3A_353 = vector.broadcast %div3A_352 : vector<512x1xf32> to vector<512x32xf32>
    %mul3A_354 = arith.mulf %slice3A_348, %mul3A_353 : vector<512x32xf32>
    %slice3A_355 = vector.extract_strided_slice %concatenate3A_127 {offsets = [512, 0], sizes = [512, 160], strides = [1, 1]} : vector<2048x160xbf16> to vector<512x160xbf16>
    %slice3A_356 = vector.extract_strided_slice %concatenate3A_136 {offsets = [0, 0], sizes = [832, 160], strides = [1, 1]} : vector<2368x160xbf16> to vector<832x160xbf16>
    %dot_general3A_357 = arith.constant dense<0.000000e+00> : vector<512x832xf32>
    %dot_general3A_358 = tpu.matmul %slice3A_355, %slice3A_356, %dot_general3A_357 {dimension_numbers = #tpu.dot_dimension_numbers<[1], [1], [0], [0], [0, 0, 1, 0], [], []>, transpose_lhs_hint = false} : vector<512x160xbf16>, vector<832x160xbf16>, vector<512x832xf32> -> vector<512x832xf32>
    %slice3A_359 = vector.extract_strided_slice %concatenate3A_127 {offsets = [512, 0], sizes = [512, 160], strides = [1, 1]} : vector<2048x160xbf16> to vector<512x160xbf16>
    %slice3A_360 = vector.extract_strided_slice %concatenate3A_136 {offsets = [832, 0], sizes = [512, 160], strides = [1, 1]} : vector<2368x160xbf16> to vector<512x160xbf16>
    %dot_general3A_361 = arith.constant dense<0.000000e+00> : vector<512x512xf32>
    %dot_general3A_362 = tpu.matmul %slice3A_359, %slice3A_360, %dot_general3A_361 {dimension_numbers = #tpu.dot_dimension_numbers<[1], [1], [0], [0], [0, 0, 1, 0], [], []>, transpose_lhs_hint = false} : vector<512x160xbf16>, vector<512x160xbf16>, vector<512x512xf32> -> vector<512x512xf32>
    %exp3A_363 = math.exp %dot_general3A_358 : vector<512x832xf32>
    %convert_element_type3A_364 = arith.truncf %exp3A_363 : vector<512x832xf32> to vector<512x832xbf16>
    %exp3A_365 = math.exp %dot_general3A_362 : vector<512x512xf32>
    %jit3A_366 = arith.constant 0.000000e+00 : f32
    %broadcast_in_dim3A_367 = vector.broadcast %jit3A_366 : f32 to vector<512x512xf32>
    %select_n3A_368 = arith.select %le3A, %exp3A_365, %broadcast_in_dim3A_367 : vector<512x512xi1>, vector<512x512xf32>
    %convert_element_type3A_369 = arith.truncf %select_n3A_368 : vector<512x512xf32> to vector<512x512xbf16>
    %slice3A_370 = vector.extract_strided_slice %concatenate3A_137 {offsets = [0, 0], sizes = [832, 40], strides = [1, 1]} : vector<2368x40xbf16> to vector<832x40xbf16>
    %dot_general3A_371 = arith.constant dense<0.000000e+00> : vector<512x40xf32>
    %dot_general3A_372 = tpu.matmul %convert_element_type3A_364, %slice3A_370, %dot_general3A_371 {dimension_numbers = #tpu.dot_dimension_numbers<[1], [0], [0], [1], [0, 0, 1, 1], [], []>, transpose_lhs_hint = false} : vector<512x832xbf16>, vector<832x40xbf16>, vector<512x40xf32> -> vector<512x40xf32>
    %slice3A_373 = vector.extract_strided_slice %concatenate3A_137 {offsets = [832, 0], sizes = [512, 40], strides = [1, 1]} : vector<2368x40xbf16> to vector<512x40xbf16>
    %dot_general3A_374 = arith.constant dense<0.000000e+00> : vector<512x40xf32>
    %dot_general3A_375 = tpu.matmul %convert_element_type3A_369, %slice3A_373, %dot_general3A_374 {dimension_numbers = #tpu.dot_dimension_numbers<[1], [0], [0], [1], [0, 0, 1, 1], [], []>, transpose_lhs_hint = false} : vector<512x512xbf16>, vector<512x40xbf16>, vector<512x40xf32> -> vector<512x40xf32>
    %add3A_376 = arith.addf %dot_general3A_372, %dot_general3A_375 : vector<512x40xf32>
    %slice3A_377 = vector.extract_strided_slice %add3A_376 {offsets = [0, 0], sizes = [512, 32], strides = [1, 1]} : vector<512x40xf32> to vector<512x32xf32>
    %slice3A_378 = vector.extract_strided_slice %add3A_376 {offsets = [0, 32], sizes = [512, 1], strides = [1, 1]} : vector<512x40xf32> to vector<512x1xf32>
    %div3A_379 = arith.constant 1.000000e+00 : f32
    %div3A_380 = vector.broadcast %div3A_379 : f32 to vector<512x1xf32>
    %div3A_381 = arith.divf %div3A_380, %slice3A_378 : vector<512x1xf32>
    %mul3A_382 = vector.broadcast %div3A_381 : vector<512x1xf32> to vector<512x32xf32>
    %mul3A_383 = arith.mulf %slice3A_377, %mul3A_382 : vector<512x32xf32>
    %slice3A_384 = vector.extract_strided_slice %concatenate3A_164 {offsets = [512, 0], sizes = [512, 160], strides = [1, 1]} : vector<2048x160xbf16> to vector<512x160xbf16>
    %slice3A_385 = vector.extract_strided_slice %concatenate3A_173 {offsets = [0, 0], sizes = [832, 160], strides = [1, 1]} : vector<2368x160xbf16> to vector<832x160xbf16>
    %dot_general3A_386 = arith.constant dense<0.000000e+00> : vector<512x832xf32>
    %dot_general3A_387 = tpu.matmul %slice3A_384, %slice3A_385, %dot_general3A_386 {dimension_numbers = #tpu.dot_dimension_numbers<[1], [1], [0], [0], [0, 0, 1, 0], [], []>, transpose_lhs_hint = false} : vector<512x160xbf16>, vector<832x160xbf16>, vector<512x832xf32> -> vector<512x832xf32>
    %slice3A_388 = vector.extract_strided_slice %concatenate3A_164 {offsets = [512, 0], sizes = [512, 160], strides = [1, 1]} : vector<2048x160xbf16> to vector<512x160xbf16>
    %slice3A_389 = vector.extract_strided_slice %concatenate3A_173 {offsets = [832, 0], sizes = [512, 160], strides = [1, 1]} : vector<2368x160xbf16> to vector<512x160xbf16>
    %dot_general3A_390 = arith.constant dense<0.000000e+00> : vector<512x512xf32>
    %dot_general3A_391 = tpu.matmul %slice3A_388, %slice3A_389, %dot_general3A_390 {dimension_numbers = #tpu.dot_dimension_numbers<[1], [1], [0], [0], [0, 0, 1, 0], [], []>, transpose_lhs_hint = false} : vector<512x160xbf16>, vector<512x160xbf16>, vector<512x512xf32> -> vector<512x512xf32>
    %exp3A_392 = math.exp %dot_general3A_387 : vector<512x832xf32>
    %convert_element_type3A_393 = arith.truncf %exp3A_392 : vector<512x832xf32> to vector<512x832xbf16>
    %exp3A_394 = math.exp %dot_general3A_391 : vector<512x512xf32>
    %jit3A_395 = arith.constant 0.000000e+00 : f32
    %broadcast_in_dim3A_396 = vector.broadcast %jit3A_395 : f32 to vector<512x512xf32>
    %select_n3A_397 = arith.select %le3A, %exp3A_394, %broadcast_in_dim3A_396 : vector<512x512xi1>, vector<512x512xf32>
    %convert_element_type3A_398 = arith.truncf %select_n3A_397 : vector<512x512xf32> to vector<512x512xbf16>
    %slice3A_399 = vector.extract_strided_slice %concatenate3A_174 {offsets = [0, 0], sizes = [832, 40], strides = [1, 1]} : vector<2368x40xbf16> to vector<832x40xbf16>
    %dot_general3A_400 = arith.constant dense<0.000000e+00> : vector<512x40xf32>
    %dot_general3A_401 = tpu.matmul %convert_element_type3A_393, %slice3A_399, %dot_general3A_400 {dimension_numbers = #tpu.dot_dimension_numbers<[1], [0], [0], [1], [0, 0, 1, 1], [], []>, transpose_lhs_hint = false} : vector<512x832xbf16>, vector<832x40xbf16>, vector<512x40xf32> -> vector<512x40xf32>
    %slice3A_402 = vector.extract_strided_slice %concatenate3A_174 {offsets = [832, 0], sizes = [512, 40], strides = [1, 1]} : vector<2368x40xbf16> to vector<512x40xbf16>
    %dot_general3A_403 = arith.constant dense<0.000000e+00> : vector<512x40xf32>
    %dot_general3A_404 = tpu.matmul %convert_element_type3A_398, %slice3A_402, %dot_general3A_403 {dimension_numbers = #tpu.dot_dimension_numbers<[1], [0], [0], [1], [0, 0, 1, 1], [], []>, transpose_lhs_hint = false} : vector<512x512xbf16>, vector<512x40xbf16>, vector<512x40xf32> -> vector<512x40xf32>
    %add3A_405 = arith.addf %dot_general3A_401, %dot_general3A_404 : vector<512x40xf32>
    %slice3A_406 = vector.extract_strided_slice %add3A_405 {offsets = [0, 0], sizes = [512, 32], strides = [1, 1]} : vector<512x40xf32> to vector<512x32xf32>
    %slice3A_407 = vector.extract_strided_slice %add3A_405 {offsets = [0, 32], sizes = [512, 1], strides = [1, 1]} : vector<512x40xf32> to vector<512x1xf32>
    %div3A_408 = arith.constant 1.000000e+00 : f32
    %div3A_409 = vector.broadcast %div3A_408 : f32 to vector<512x1xf32>
    %div3A_410 = arith.divf %div3A_409, %slice3A_407 : vector<512x1xf32>
    %mul3A_411 = vector.broadcast %div3A_410 : vector<512x1xf32> to vector<512x32xf32>
    %mul3A_412 = arith.mulf %slice3A_406, %mul3A_411 : vector<512x32xf32>
    %slice3A_413 = vector.extract_strided_slice %concatenate3A_201 {offsets = [512, 0], sizes = [512, 160], strides = [1, 1]} : vector<2048x160xbf16> to vector<512x160xbf16>
    %slice3A_414 = vector.extract_strided_slice %concatenate3A_210 {offsets = [0, 0], sizes = [832, 160], strides = [1, 1]} : vector<2368x160xbf16> to vector<832x160xbf16>
    %dot_general3A_415 = arith.constant dense<0.000000e+00> : vector<512x832xf32>
    %dot_general3A_416 = tpu.matmul %slice3A_413, %slice3A_414, %dot_general3A_415 {dimension_numbers = #tpu.dot_dimension_numbers<[1], [1], [0], [0], [0, 0, 1, 0], [], []>, transpose_lhs_hint = false} : vector<512x160xbf16>, vector<832x160xbf16>, vector<512x832xf32> -> vector<512x832xf32>
    %slice3A_417 = vector.extract_strided_slice %concatenate3A_201 {offsets = [512, 0], sizes = [512, 160], strides = [1, 1]} : vector<2048x160xbf16> to vector<512x160xbf16>
    %slice3A_418 = vector.extract_strided_slice %concatenate3A_210 {offsets = [832, 0], sizes = [512, 160], strides = [1, 1]} : vector<2368x160xbf16> to vector<512x160xbf16>
    %dot_general3A_419 = arith.constant dense<0.000000e+00> : vector<512x512xf32>
    %dot_general3A_420 = tpu.matmul %slice3A_417, %slice3A_418, %dot_general3A_419 {dimension_numbers = #tpu.dot_dimension_numbers<[1], [1], [0], [0], [0, 0, 1, 0], [], []>, transpose_lhs_hint = false} : vector<512x160xbf16>, vector<512x160xbf16>, vector<512x512xf32> -> vector<512x512xf32>
    %exp3A_421 = math.exp %dot_general3A_416 : vector<512x832xf32>
    %convert_element_type3A_422 = arith.truncf %exp3A_421 : vector<512x832xf32> to vector<512x832xbf16>
    %exp3A_423 = math.exp %dot_general3A_420 : vector<512x512xf32>
    %jit3A_424 = arith.constant 0.000000e+00 : f32
    %broadcast_in_dim3A_425 = vector.broadcast %jit3A_424 : f32 to vector<512x512xf32>
    %select_n3A_426 = arith.select %le3A, %exp3A_423, %broadcast_in_dim3A_425 : vector<512x512xi1>, vector<512x512xf32>
    %convert_element_type3A_427 = arith.truncf %select_n3A_426 : vector<512x512xf32> to vector<512x512xbf16>
    %slice3A_428 = vector.extract_strided_slice %concatenate3A_211 {offsets = [0, 0], sizes = [832, 40], strides = [1, 1]} : vector<2368x40xbf16> to vector<832x40xbf16>
    %dot_general3A_429 = arith.constant dense<0.000000e+00> : vector<512x40xf32>
    %dot_general3A_430 = tpu.matmul %convert_element_type3A_422, %slice3A_428, %dot_general3A_429 {dimension_numbers = #tpu.dot_dimension_numbers<[1], [0], [0], [1], [0, 0, 1, 1], [], []>, transpose_lhs_hint = false} : vector<512x832xbf16>, vector<832x40xbf16>, vector<512x40xf32> -> vector<512x40xf32>
    %slice3A_431 = vector.extract_strided_slice %concatenate3A_211 {offsets = [832, 0], sizes = [512, 40], strides = [1, 1]} : vector<2368x40xbf16> to vector<512x40xbf16>
    %dot_general3A_432 = arith.constant dense<0.000000e+00> : vector<512x40xf32>
    %dot_general3A_433 = tpu.matmul %convert_element_type3A_427, %slice3A_431, %dot_general3A_432 {dimension_numbers = #tpu.dot_dimension_numbers<[1], [0], [0], [1], [0, 0, 1, 1], [], []>, transpose_lhs_hint = false} : vector<512x512xbf16>, vector<512x40xbf16>, vector<512x40xf32> -> vector<512x40xf32>
    %add3A_434 = arith.addf %dot_general3A_430, %dot_general3A_433 : vector<512x40xf32>
    %slice3A_435 = vector.extract_strided_slice %add3A_434 {offsets = [0, 0], sizes = [512, 32], strides = [1, 1]} : vector<512x40xf32> to vector<512x32xf32>
    %slice3A_436 = vector.extract_strided_slice %add3A_434 {offsets = [0, 32], sizes = [512, 1], strides = [1, 1]} : vector<512x40xf32> to vector<512x1xf32>
    %div3A_437 = arith.constant 1.000000e+00 : f32
    %div3A_438 = vector.broadcast %div3A_437 : f32 to vector<512x1xf32>
    %div3A_439 = arith.divf %div3A_438, %slice3A_436 : vector<512x1xf32>
    %mul3A_440 = vector.broadcast %div3A_439 : vector<512x1xf32> to vector<512x32xf32>
    %mul3A_441 = arith.mulf %slice3A_435, %mul3A_440 : vector<512x32xf32>
    %concatenate3A_442 = tpu.concatenate %mul3A_354, %mul3A_383, %mul3A_412, %mul3A_441 in 1 : vector<512x32xf32>, vector<512x32xf32>, vector<512x32xf32>, vector<512x32xf32> -> vector<512x128xf32>
    %slice3A_443 = vector.extract_strided_slice %concatenate3A_90 {offsets = [1024, 0], sizes = [512, 160], strides = [1, 1]} : vector<2048x160xbf16> to vector<512x160xbf16>
    %slice3A_444 = vector.extract_strided_slice %concatenate3A_99 {offsets = [0, 0], sizes = [1344, 160], strides = [1, 1]} : vector<2368x160xbf16> to vector<1344x160xbf16>
    %dot_general3A_445 = arith.constant dense<0.000000e+00> : vector<512x1344xf32>
    %dot_general3A_446 = tpu.matmul %slice3A_443, %slice3A_444, %dot_general3A_445 {dimension_numbers = #tpu.dot_dimension_numbers<[1], [1], [0], [0], [0, 0, 1, 0], [], []>, transpose_lhs_hint = false} : vector<512x160xbf16>, vector<1344x160xbf16>, vector<512x1344xf32> -> vector<512x1344xf32>
    %slice3A_447 = vector.extract_strided_slice %concatenate3A_90 {offsets = [1024, 0], sizes = [512, 160], strides = [1, 1]} : vector<2048x160xbf16> to vector<512x160xbf16>
    %slice3A_448 = vector.extract_strided_slice %concatenate3A_99 {offsets = [1344, 0], sizes = [512, 160], strides = [1, 1]} : vector<2368x160xbf16> to vector<512x160xbf16>
    %dot_general3A_449 = arith.constant dense<0.000000e+00> : vector<512x512xf32>
    %dot_general3A_450 = tpu.matmul %slice3A_447, %slice3A_448, %dot_general3A_449 {dimension_numbers = #tpu.dot_dimension_numbers<[1], [1], [0], [0], [0, 0, 1, 0], [], []>, transpose_lhs_hint = false} : vector<512x160xbf16>, vector<512x160xbf16>, vector<512x512xf32> -> vector<512x512xf32>
    %exp3A_451 = math.exp %dot_general3A_446 : vector<512x1344xf32>
    %convert_element_type3A_452 = arith.truncf %exp3A_451 : vector<512x1344xf32> to vector<512x1344xbf16>
    %exp3A_453 = math.exp %dot_general3A_450 : vector<512x512xf32>
    %jit3A_454 = arith.constant 0.000000e+00 : f32
    %broadcast_in_dim3A_455 = vector.broadcast %jit3A_454 : f32 to vector<512x512xf32>
    %select_n3A_456 = arith.select %le3A, %exp3A_453, %broadcast_in_dim3A_455 : vector<512x512xi1>, vector<512x512xf32>
    %convert_element_type3A_457 = arith.truncf %select_n3A_456 : vector<512x512xf32> to vector<512x512xbf16>
    %slice3A_458 = vector.extract_strided_slice %concatenate3A_100 {offsets = [0, 0], sizes = [1344, 40], strides = [1, 1]} : vector<2368x40xbf16> to vector<1344x40xbf16>
    %dot_general3A_459 = arith.constant dense<0.000000e+00> : vector<512x40xf32>
    %dot_general3A_460 = tpu.matmul %convert_element_type3A_452, %slice3A_458, %dot_general3A_459 {dimension_numbers = #tpu.dot_dimension_numbers<[1], [0], [0], [1], [0, 0, 1, 1], [], []>, transpose_lhs_hint = false} : vector<512x1344xbf16>, vector<1344x40xbf16>, vector<512x40xf32> -> vector<512x40xf32>
    %slice3A_461 = vector.extract_strided_slice %concatenate3A_100 {offsets = [1344, 0], sizes = [512, 40], strides = [1, 1]} : vector<2368x40xbf16> to vector<512x40xbf16>
    %dot_general3A_462 = arith.constant dense<0.000000e+00> : vector<512x40xf32>
    %dot_general3A_463 = tpu.matmul %convert_element_type3A_457, %slice3A_461, %dot_general3A_462 {dimension_numbers = #tpu.dot_dimension_numbers<[1], [0], [0], [1], [0, 0, 1, 1], [], []>, transpose_lhs_hint = false} : vector<512x512xbf16>, vector<512x40xbf16>, vector<512x40xf32> -> vector<512x40xf32>
    %add3A_464 = arith.addf %dot_general3A_460, %dot_general3A_463 : vector<512x40xf32>
    %slice3A_465 = vector.extract_strided_slice %add3A_464 {offsets = [0, 0], sizes = [512, 32], strides = [1, 1]} : vector<512x40xf32> to vector<512x32xf32>
    %slice3A_466 = vector.extract_strided_slice %add3A_464 {offsets = [0, 32], sizes = [512, 1], strides = [1, 1]} : vector<512x40xf32> to vector<512x1xf32>
    %div3A_467 = arith.constant 1.000000e+00 : f32
    %div3A_468 = vector.broadcast %div3A_467 : f32 to vector<512x1xf32>
    %div3A_469 = arith.divf %div3A_468, %slice3A_466 : vector<512x1xf32>
    %mul3A_470 = vector.broadcast %div3A_469 : vector<512x1xf32> to vector<512x32xf32>
    %mul3A_471 = arith.mulf %slice3A_465, %mul3A_470 : vector<512x32xf32>
    %slice3A_472 = vector.extract_strided_slice %concatenate3A_127 {offsets = [1024, 0], sizes = [512, 160], strides = [1, 1]} : vector<2048x160xbf16> to vector<512x160xbf16>
    %slice3A_473 = vector.extract_strided_slice %concatenate3A_136 {offsets = [0, 0], sizes = [1344, 160], strides = [1, 1]} : vector<2368x160xbf16> to vector<1344x160xbf16>
    %dot_general3A_474 = arith.constant dense<0.000000e+00> : vector<512x1344xf32>
    %dot_general3A_475 = tpu.matmul %slice3A_472, %slice3A_473, %dot_general3A_474 {dimension_numbers = #tpu.dot_dimension_numbers<[1], [1], [0], [0], [0, 0, 1, 0], [], []>, transpose_lhs_hint = false} : vector<512x160xbf16>, vector<1344x160xbf16>, vector<512x1344xf32> -> vector<512x1344xf32>
    %slice3A_476 = vector.extract_strided_slice %concatenate3A_127 {offsets = [1024, 0], sizes = [512, 160], strides = [1, 1]} : vector<2048x160xbf16> to vector<512x160xbf16>
    %slice3A_477 = vector.extract_strided_slice %concatenate3A_136 {offsets = [1344, 0], sizes = [512, 160], strides = [1, 1]} : vector<2368x160xbf16> to vector<512x160xbf16>
    %dot_general3A_478 = arith.constant dense<0.000000e+00> : vector<512x512xf32>
    %dot_general3A_479 = tpu.matmul %slice3A_476, %slice3A_477, %dot_general3A_478 {dimension_numbers = #tpu.dot_dimension_numbers<[1], [1], [0], [0], [0, 0, 1, 0], [], []>, transpose_lhs_hint = false} : vector<512x160xbf16>, vector<512x160xbf16>, vector<512x512xf32> -> vector<512x512xf32>
    %exp3A_480 = math.exp %dot_general3A_475 : vector<512x1344xf32>
    %convert_element_type3A_481 = arith.truncf %exp3A_480 : vector<512x1344xf32> to vector<512x1344xbf16>
    %exp3A_482 = math.exp %dot_general3A_479 : vector<512x512xf32>
    %jit3A_483 = arith.constant 0.000000e+00 : f32
    %broadcast_in_dim3A_484 = vector.broadcast %jit3A_483 : f32 to vector<512x512xf32>
    %select_n3A_485 = arith.select %le3A, %exp3A_482, %broadcast_in_dim3A_484 : vector<512x512xi1>, vector<512x512xf32>
    %convert_element_type3A_486 = arith.truncf %select_n3A_485 : vector<512x512xf32> to vector<512x512xbf16>
    %slice3A_487 = vector.extract_strided_slice %concatenate3A_137 {offsets = [0, 0], sizes = [1344, 40], strides = [1, 1]} : vector<2368x40xbf16> to vector<1344x40xbf16>
    %dot_general3A_488 = arith.constant dense<0.000000e+00> : vector<512x40xf32>
    %dot_general3A_489 = tpu.matmul %convert_element_type3A_481, %slice3A_487, %dot_general3A_488 {dimension_numbers = #tpu.dot_dimension_numbers<[1], [0], [0], [1], [0, 0, 1, 1], [], []>, transpose_lhs_hint = false} : vector<512x1344xbf16>, vector<1344x40xbf16>, vector<512x40xf32> -> vector<512x40xf32>
    %slice3A_490 = vector.extract_strided_slice %concatenate3A_137 {offsets = [1344, 0], sizes = [512, 40], strides = [1, 1]} : vector<2368x40xbf16> to vector<512x40xbf16>
    %dot_general3A_491 = arith.constant dense<0.000000e+00> : vector<512x40xf32>
    %dot_general3A_492 = tpu.matmul %convert_element_type3A_486, %slice3A_490, %dot_general3A_491 {dimension_numbers = #tpu.dot_dimension_numbers<[1], [0], [0], [1], [0, 0, 1, 1], [], []>, transpose_lhs_hint = false} : vector<512x512xbf16>, vector<512x40xbf16>, vector<512x40xf32> -> vector<512x40xf32>
    %add3A_493 = arith.addf %dot_general3A_489, %dot_general3A_492 : vector<512x40xf32>
    %slice3A_494 = vector.extract_strided_slice %add3A_493 {offsets = [0, 0], sizes = [512, 32], strides = [1, 1]} : vector<512x40xf32> to vector<512x32xf32>
    %slice3A_495 = vector.extract_strided_slice %add3A_493 {offsets = [0, 32], sizes = [512, 1], strides = [1, 1]} : vector<512x40xf32> to vector<512x1xf32>
    %div3A_496 = arith.constant 1.000000e+00 : f32
    %div3A_497 = vector.broadcast %div3A_496 : f32 to vector<512x1xf32>
    %div3A_498 = arith.divf %div3A_497, %slice3A_495 : vector<512x1xf32>
    %mul3A_499 = vector.broadcast %div3A_498 : vector<512x1xf32> to vector<512x32xf32>
    %mul3A_500 = arith.mulf %slice3A_494, %mul3A_499 : vector<512x32xf32>
    %slice3A_501 = vector.extract_strided_slice %concatenate3A_164 {offsets = [1024, 0], sizes = [512, 160], strides = [1, 1]} : vector<2048x160xbf16> to vector<512x160xbf16>
    %slice3A_502 = vector.extract_strided_slice %concatenate3A_173 {offsets = [0, 0], sizes = [1344, 160], strides = [1, 1]} : vector<2368x160xbf16> to vector<1344x160xbf16>
    %dot_general3A_503 = arith.constant dense<0.000000e+00> : vector<512x1344xf32>
    %dot_general3A_504 = tpu.matmul %slice3A_501, %slice3A_502, %dot_general3A_503 {dimension_numbers = #tpu.dot_dimension_numbers<[1], [1], [0], [0], [0, 0, 1, 0], [], []>, transpose_lhs_hint = false} : vector<512x160xbf16>, vector<1344x160xbf16>, vector<512x1344xf32> -> vector<512x1344xf32>
    %slice3A_505 = vector.extract_strided_slice %concatenate3A_164 {offsets = [1024, 0], sizes = [512, 160], strides = [1, 1]} : vector<2048x160xbf16> to vector<512x160xbf16>
    %slice3A_506 = vector.extract_strided_slice %concatenate3A_173 {offsets = [1344, 0], sizes = [512, 160], strides = [1, 1]} : vector<2368x160xbf16> to vector<512x160xbf16>
    %dot_general3A_507 = arith.constant dense<0.000000e+00> : vector<512x512xf32>
    %dot_general3A_508 = tpu.matmul %slice3A_505, %slice3A_506, %dot_general3A_507 {dimension_numbers = #tpu.dot_dimension_numbers<[1], [1], [0], [0], [0, 0, 1, 0], [], []>, transpose_lhs_hint = false} : vector<512x160xbf16>, vector<512x160xbf16>, vector<512x512xf32> -> vector<512x512xf32>
    %exp3A_509 = math.exp %dot_general3A_504 : vector<512x1344xf32>
    %convert_element_type3A_510 = arith.truncf %exp3A_509 : vector<512x1344xf32> to vector<512x1344xbf16>
    %exp3A_511 = math.exp %dot_general3A_508 : vector<512x512xf32>
    %jit3A_512 = arith.constant 0.000000e+00 : f32
    %broadcast_in_dim3A_513 = vector.broadcast %jit3A_512 : f32 to vector<512x512xf32>
    %select_n3A_514 = arith.select %le3A, %exp3A_511, %broadcast_in_dim3A_513 : vector<512x512xi1>, vector<512x512xf32>
    %convert_element_type3A_515 = arith.truncf %select_n3A_514 : vector<512x512xf32> to vector<512x512xbf16>
    %slice3A_516 = vector.extract_strided_slice %concatenate3A_174 {offsets = [0, 0], sizes = [1344, 40], strides = [1, 1]} : vector<2368x40xbf16> to vector<1344x40xbf16>
    %dot_general3A_517 = arith.constant dense<0.000000e+00> : vector<512x40xf32>
    %dot_general3A_518 = tpu.matmul %convert_element_type3A_510, %slice3A_516, %dot_general3A_517 {dimension_numbers = #tpu.dot_dimension_numbers<[1], [0], [0], [1], [0, 0, 1, 1], [], []>, transpose_lhs_hint = false} : vector<512x1344xbf16>, vector<1344x40xbf16>, vector<512x40xf32> -> vector<512x40xf32>
    %slice3A_519 = vector.extract_strided_slice %concatenate3A_174 {offsets = [1344, 0], sizes = [512, 40], strides = [1, 1]} : vector<2368x40xbf16> to vector<512x40xbf16>
    %dot_general3A_520 = arith.constant dense<0.000000e+00> : vector<512x40xf32>
    %dot_general3A_521 = tpu.matmul %convert_element_type3A_515, %slice3A_519, %dot_general3A_520 {dimension_numbers = #tpu.dot_dimension_numbers<[1], [0], [0], [1], [0, 0, 1, 1], [], []>, transpose_lhs_hint = false} : vector<512x512xbf16>, vector<512x40xbf16>, vector<512x40xf32> -> vector<512x40xf32>
    %add3A_522 = arith.addf %dot_general3A_518, %dot_general3A_521 : vector<512x40xf32>
    %slice3A_523 = vector.extract_strided_slice %add3A_522 {offsets = [0, 0], sizes = [512, 32], strides = [1, 1]} : vector<512x40xf32> to vector<512x32xf32>
    %slice3A_524 = vector.extract_strided_slice %add3A_522 {offsets = [0, 32], sizes = [512, 1], strides = [1, 1]} : vector<512x40xf32> to vector<512x1xf32>
    %div3A_525 = arith.constant 1.000000e+00 : f32
    %div3A_526 = vector.broadcast %div3A_525 : f32 to vector<512x1xf32>
    %div3A_527 = arith.divf %div3A_526, %slice3A_524 : vector<512x1xf32>
    %mul3A_528 = vector.broadcast %div3A_527 : vector<512x1xf32> to vector<512x32xf32>
    %mul3A_529 = arith.mulf %slice3A_523, %mul3A_528 : vector<512x32xf32>
    %slice3A_530 = vector.extract_strided_slice %concatenate3A_201 {offsets = [1024, 0], sizes = [512, 160], strides = [1, 1]} : vector<2048x160xbf16> to vector<512x160xbf16>
    %slice3A_531 = vector.extract_strided_slice %concatenate3A_210 {offsets = [0, 0], sizes = [1344, 160], strides = [1, 1]} : vector<2368x160xbf16> to vector<1344x160xbf16>
    %dot_general3A_532 = arith.constant dense<0.000000e+00> : vector<512x1344xf32>
    %dot_general3A_533 = tpu.matmul %slice3A_530, %slice3A_531, %dot_general3A_532 {dimension_numbers = #tpu.dot_dimension_numbers<[1], [1], [0], [0], [0, 0, 1, 0], [], []>, transpose_lhs_hint = false} : vector<512x160xbf16>, vector<1344x160xbf16>, vector<512x1344xf32> -> vector<512x1344xf32>
    %slice3A_534 = vector.extract_strided_slice %concatenate3A_201 {offsets = [1024, 0], sizes = [512, 160], strides = [1, 1]} : vector<2048x160xbf16> to vector<512x160xbf16>
    %slice3A_535 = vector.extract_strided_slice %concatenate3A_210 {offsets = [1344, 0], sizes = [512, 160], strides = [1, 1]} : vector<2368x160xbf16> to vector<512x160xbf16>
    %dot_general3A_536 = arith.constant dense<0.000000e+00> : vector<512x512xf32>
    %dot_general3A_537 = tpu.matmul %slice3A_534, %slice3A_535, %dot_general3A_536 {dimension_numbers = #tpu.dot_dimension_numbers<[1], [1], [0], [0], [0, 0, 1, 0], [], []>, transpose_lhs_hint = false} : vector<512x160xbf16>, vector<512x160xbf16>, vector<512x512xf32> -> vector<512x512xf32>
    %exp3A_538 = math.exp %dot_general3A_533 : vector<512x1344xf32>
    %convert_element_type3A_539 = arith.truncf %exp3A_538 : vector<512x1344xf32> to vector<512x1344xbf16>
    %exp3A_540 = math.exp %dot_general3A_537 : vector<512x512xf32>
    %jit3A_541 = arith.constant 0.000000e+00 : f32
    %broadcast_in_dim3A_542 = vector.broadcast %jit3A_541 : f32 to vector<512x512xf32>
    %select_n3A_543 = arith.select %le3A, %exp3A_540, %broadcast_in_dim3A_542 : vector<512x512xi1>, vector<512x512xf32>
    %convert_element_type3A_544 = arith.truncf %select_n3A_543 : vector<512x512xf32> to vector<512x512xbf16>
    %slice3A_545 = vector.extract_strided_slice %concatenate3A_211 {offsets = [0, 0], sizes = [1344, 40], strides = [1, 1]} : vector<2368x40xbf16> to vector<1344x40xbf16>
    %dot_general3A_546 = arith.constant dense<0.000000e+00> : vector<512x40xf32>
    %dot_general3A_547 = tpu.matmul %convert_element_type3A_539, %slice3A_545, %dot_general3A_546 {dimension_numbers = #tpu.dot_dimension_numbers<[1], [0], [0], [1], [0, 0, 1, 1], [], []>, transpose_lhs_hint = false} : vector<512x1344xbf16>, vector<1344x40xbf16>, vector<512x40xf32> -> vector<512x40xf32>
    %slice3A_548 = vector.extract_strided_slice %concatenate3A_211 {offsets = [1344, 0], sizes = [512, 40], strides = [1, 1]} : vector<2368x40xbf16> to vector<512x40xbf16>
    %dot_general3A_549 = arith.constant dense<0.000000e+00> : vector<512x40xf32>
    %dot_general3A_550 = tpu.matmul %convert_element_type3A_544, %slice3A_548, %dot_general3A_549 {dimension_numbers = #tpu.dot_dimension_numbers<[1], [0], [0], [1], [0, 0, 1, 1], [], []>, transpose_lhs_hint = false} : vector<512x512xbf16>, vector<512x40xbf16>, vector<512x40xf32> -> vector<512x40xf32>
    %add3A_551 = arith.addf %dot_general3A_547, %dot_general3A_550 : vector<512x40xf32>
    %slice3A_552 = vector.extract_strided_slice %add3A_551 {offsets = [0, 0], sizes = [512, 32], strides = [1, 1]} : vector<512x40xf32> to vector<512x32xf32>
    %slice3A_553 = vector.extract_strided_slice %add3A_551 {offsets = [0, 32], sizes = [512, 1], strides = [1, 1]} : vector<512x40xf32> to vector<512x1xf32>
    %div3A_554 = arith.constant 1.000000e+00 : f32
    %div3A_555 = vector.broadcast %div3A_554 : f32 to vector<512x1xf32>
    %div3A_556 = arith.divf %div3A_555, %slice3A_553 : vector<512x1xf32>
    %mul3A_557 = vector.broadcast %div3A_556 : vector<512x1xf32> to vector<512x32xf32>
    %mul3A_558 = arith.mulf %slice3A_552, %mul3A_557 : vector<512x32xf32>
    %concatenate3A_559 = tpu.concatenate %mul3A_471, %mul3A_500, %mul3A_529, %mul3A_558 in 1 : vector<512x32xf32>, vector<512x32xf32>, vector<512x32xf32>, vector<512x32xf32> -> vector<512x128xf32>
    %slice3A_560 = vector.extract_strided_slice %concatenate3A_90 {offsets = [1536, 0], sizes = [512, 160], strides = [1, 1]} : vector<2048x160xbf16> to vector<512x160xbf16>
    %slice3A_561 = vector.extract_strided_slice %concatenate3A_99 {offsets = [0, 0], sizes = [1856, 160], strides = [1, 1]} : vector<2368x160xbf16> to vector<1856x160xbf16>
    %dot_general3A_562 = arith.constant dense<0.000000e+00> : vector<512x1856xf32>
    %dot_general3A_563 = tpu.matmul %slice3A_560, %slice3A_561, %dot_general3A_562 {dimension_numbers = #tpu.dot_dimension_numbers<[1], [1], [0], [0], [0, 0, 1, 0], [], []>, transpose_lhs_hint = false} : vector<512x160xbf16>, vector<1856x160xbf16>, vector<512x1856xf32> -> vector<512x1856xf32>
    %slice3A_564 = vector.extract_strided_slice %concatenate3A_90 {offsets = [1536, 0], sizes = [512, 160], strides = [1, 1]} : vector<2048x160xbf16> to vector<512x160xbf16>
    %slice3A_565 = vector.extract_strided_slice %concatenate3A_99 {offsets = [1856, 0], sizes = [512, 160], strides = [1, 1]} : vector<2368x160xbf16> to vector<512x160xbf16>
    %dot_general3A_566 = arith.constant dense<0.000000e+00> : vector<512x512xf32>
    %dot_general3A_567 = tpu.matmul %slice3A_564, %slice3A_565, %dot_general3A_566 {dimension_numbers = #tpu.dot_dimension_numbers<[1], [1], [0], [0], [0, 0, 1, 0], [], []>, transpose_lhs_hint = false} : vector<512x160xbf16>, vector<512x160xbf16>, vector<512x512xf32> -> vector<512x512xf32>
    %exp3A_568 = math.exp %dot_general3A_563 : vector<512x1856xf32>
    %convert_element_type3A_569 = arith.truncf %exp3A_568 : vector<512x1856xf32> to vector<512x1856xbf16>
    %exp3A_570 = math.exp %dot_general3A_567 : vector<512x512xf32>
    %jit3A_571 = arith.constant 0.000000e+00 : f32
    %broadcast_in_dim3A_572 = vector.broadcast %jit3A_571 : f32 to vector<512x512xf32>
    %select_n3A_573 = arith.select %le3A, %exp3A_570, %broadcast_in_dim3A_572 : vector<512x512xi1>, vector<512x512xf32>
    %convert_element_type3A_574 = arith.truncf %select_n3A_573 : vector<512x512xf32> to vector<512x512xbf16>
    %slice3A_575 = vector.extract_strided_slice %concatenate3A_100 {offsets = [0, 0], sizes = [1856, 40], strides = [1, 1]} : vector<2368x40xbf16> to vector<1856x40xbf16>
    %dot_general3A_576 = arith.constant dense<0.000000e+00> : vector<512x40xf32>
    %dot_general3A_577 = tpu.matmul %convert_element_type3A_569, %slice3A_575, %dot_general3A_576 {dimension_numbers = #tpu.dot_dimension_numbers<[1], [0], [0], [1], [0, 0, 1, 1], [], []>, transpose_lhs_hint = false} : vector<512x1856xbf16>, vector<1856x40xbf16>, vector<512x40xf32> -> vector<512x40xf32>
    %slice3A_578 = vector.extract_strided_slice %concatenate3A_100 {offsets = [1856, 0], sizes = [512, 40], strides = [1, 1]} : vector<2368x40xbf16> to vector<512x40xbf16>
    %dot_general3A_579 = arith.constant dense<0.000000e+00> : vector<512x40xf32>
    %dot_general3A_580 = tpu.matmul %convert_element_type3A_574, %slice3A_578, %dot_general3A_579 {dimension_numbers = #tpu.dot_dimension_numbers<[1], [0], [0], [1], [0, 0, 1, 1], [], []>, transpose_lhs_hint = false} : vector<512x512xbf16>, vector<512x40xbf16>, vector<512x40xf32> -> vector<512x40xf32>
    %add3A_581 = arith.addf %dot_general3A_577, %dot_general3A_580 : vector<512x40xf32>
    %slice3A_582 = vector.extract_strided_slice %add3A_581 {offsets = [0, 0], sizes = [512, 32], strides = [1, 1]} : vector<512x40xf32> to vector<512x32xf32>
    %slice3A_583 = vector.extract_strided_slice %add3A_581 {offsets = [0, 32], sizes = [512, 1], strides = [1, 1]} : vector<512x40xf32> to vector<512x1xf32>
    %div3A_584 = arith.constant 1.000000e+00 : f32
    %div3A_585 = vector.broadcast %div3A_584 : f32 to vector<512x1xf32>
    %div3A_586 = arith.divf %div3A_585, %slice3A_583 : vector<512x1xf32>
    %mul3A_587 = vector.broadcast %div3A_586 : vector<512x1xf32> to vector<512x32xf32>
    %mul3A_588 = arith.mulf %slice3A_582, %mul3A_587 : vector<512x32xf32>
    %slice3A_589 = vector.extract_strided_slice %concatenate3A_127 {offsets = [1536, 0], sizes = [512, 160], strides = [1, 1]} : vector<2048x160xbf16> to vector<512x160xbf16>
    %slice3A_590 = vector.extract_strided_slice %concatenate3A_136 {offsets = [0, 0], sizes = [1856, 160], strides = [1, 1]} : vector<2368x160xbf16> to vector<1856x160xbf16>
    %dot_general3A_591 = arith.constant dense<0.000000e+00> : vector<512x1856xf32>
    %dot_general3A_592 = tpu.matmul %slice3A_589, %slice3A_590, %dot_general3A_591 {dimension_numbers = #tpu.dot_dimension_numbers<[1], [1], [0], [0], [0, 0, 1, 0], [], []>, transpose_lhs_hint = false} : vector<512x160xbf16>, vector<1856x160xbf16>, vector<512x1856xf32> -> vector<512x1856xf32>
    %slice3A_593 = vector.extract_strided_slice %concatenate3A_127 {offsets = [1536, 0], sizes = [512, 160], strides = [1, 1]} : vector<2048x160xbf16> to vector<512x160xbf16>
    %slice3A_594 = vector.extract_strided_slice %concatenate3A_136 {offsets = [1856, 0], sizes = [512, 160], strides = [1, 1]} : vector<2368x160xbf16> to vector<512x160xbf16>
    %dot_general3A_595 = arith.constant dense<0.000000e+00> : vector<512x512xf32>
    %dot_general3A_596 = tpu.matmul %slice3A_593, %slice3A_594, %dot_general3A_595 {dimension_numbers = #tpu.dot_dimension_numbers<[1], [1], [0], [0], [0, 0, 1, 0], [], []>, transpose_lhs_hint = false} : vector<512x160xbf16>, vector<512x160xbf16>, vector<512x512xf32> -> vector<512x512xf32>
    %exp3A_597 = math.exp %dot_general3A_592 : vector<512x1856xf32>
    %convert_element_type3A_598 = arith.truncf %exp3A_597 : vector<512x1856xf32> to vector<512x1856xbf16>
    %exp3A_599 = math.exp %dot_general3A_596 : vector<512x512xf32>
    %jit3A_600 = arith.constant 0.000000e+00 : f32
    %broadcast_in_dim3A_601 = vector.broadcast %jit3A_600 : f32 to vector<512x512xf32>
    %select_n3A_602 = arith.select %le3A, %exp3A_599, %broadcast_in_dim3A_601 : vector<512x512xi1>, vector<512x512xf32>
    %convert_element_type3A_603 = arith.truncf %select_n3A_602 : vector<512x512xf32> to vector<512x512xbf16>
    %slice3A_604 = vector.extract_strided_slice %concatenate3A_137 {offsets = [0, 0], sizes = [1856, 40], strides = [1, 1]} : vector<2368x40xbf16> to vector<1856x40xbf16>
    %dot_general3A_605 = arith.constant dense<0.000000e+00> : vector<512x40xf32>
    %dot_general3A_606 = tpu.matmul %convert_element_type3A_598, %slice3A_604, %dot_general3A_605 {dimension_numbers = #tpu.dot_dimension_numbers<[1], [0], [0], [1], [0, 0, 1, 1], [], []>, transpose_lhs_hint = false} : vector<512x1856xbf16>, vector<1856x40xbf16>, vector<512x40xf32> -> vector<512x40xf32>
    %slice3A_607 = vector.extract_strided_slice %concatenate3A_137 {offsets = [1856, 0], sizes = [512, 40], strides = [1, 1]} : vector<2368x40xbf16> to vector<512x40xbf16>
    %dot_general3A_608 = arith.constant dense<0.000000e+00> : vector<512x40xf32>
    %dot_general3A_609 = tpu.matmul %convert_element_type3A_603, %slice3A_607, %dot_general3A_608 {dimension_numbers = #tpu.dot_dimension_numbers<[1], [0], [0], [1], [0, 0, 1, 1], [], []>, transpose_lhs_hint = false} : vector<512x512xbf16>, vector<512x40xbf16>, vector<512x40xf32> -> vector<512x40xf32>
    %add3A_610 = arith.addf %dot_general3A_606, %dot_general3A_609 : vector<512x40xf32>
    %slice3A_611 = vector.extract_strided_slice %add3A_610 {offsets = [0, 0], sizes = [512, 32], strides = [1, 1]} : vector<512x40xf32> to vector<512x32xf32>
    %slice3A_612 = vector.extract_strided_slice %add3A_610 {offsets = [0, 32], sizes = [512, 1], strides = [1, 1]} : vector<512x40xf32> to vector<512x1xf32>
    %div3A_613 = arith.constant 1.000000e+00 : f32
    %div3A_614 = vector.broadcast %div3A_613 : f32 to vector<512x1xf32>
    %div3A_615 = arith.divf %div3A_614, %slice3A_612 : vector<512x1xf32>
    %mul3A_616 = vector.broadcast %div3A_615 : vector<512x1xf32> to vector<512x32xf32>
    %mul3A_617 = arith.mulf %slice3A_611, %mul3A_616 : vector<512x32xf32>
    %slice3A_618 = vector.extract_strided_slice %concatenate3A_164 {offsets = [1536, 0], sizes = [512, 160], strides = [1, 1]} : vector<2048x160xbf16> to vector<512x160xbf16>
    %slice3A_619 = vector.extract_strided_slice %concatenate3A_173 {offsets = [0, 0], sizes = [1856, 160], strides = [1, 1]} : vector<2368x160xbf16> to vector<1856x160xbf16>
    %dot_general3A_620 = arith.constant dense<0.000000e+00> : vector<512x1856xf32>
    %dot_general3A_621 = tpu.matmul %slice3A_618, %slice3A_619, %dot_general3A_620 {dimension_numbers = #tpu.dot_dimension_numbers<[1], [1], [0], [0], [0, 0, 1, 0], [], []>, transpose_lhs_hint = false} : vector<512x160xbf16>, vector<1856x160xbf16>, vector<512x1856xf32> -> vector<512x1856xf32>
    %slice3A_622 = vector.extract_strided_slice %concatenate3A_164 {offsets = [1536, 0], sizes = [512, 160], strides = [1, 1]} : vector<2048x160xbf16> to vector<512x160xbf16>
    %slice3A_623 = vector.extract_strided_slice %concatenate3A_173 {offsets = [1856, 0], sizes = [512, 160], strides = [1, 1]} : vector<2368x160xbf16> to vector<512x160xbf16>
    %dot_general3A_624 = arith.constant dense<0.000000e+00> : vector<512x512xf32>
    %dot_general3A_625 = tpu.matmul %slice3A_622, %slice3A_623, %dot_general3A_624 {dimension_numbers = #tpu.dot_dimension_numbers<[1], [1], [0], [0], [0, 0, 1, 0], [], []>, transpose_lhs_hint = false} : vector<512x160xbf16>, vector<512x160xbf16>, vector<512x512xf32> -> vector<512x512xf32>
    %exp3A_626 = math.exp %dot_general3A_621 : vector<512x1856xf32>
    %convert_element_type3A_627 = arith.truncf %exp3A_626 : vector<512x1856xf32> to vector<512x1856xbf16>
    %exp3A_628 = math.exp %dot_general3A_625 : vector<512x512xf32>
    %jit3A_629 = arith.constant 0.000000e+00 : f32
    %broadcast_in_dim3A_630 = vector.broadcast %jit3A_629 : f32 to vector<512x512xf32>
    %select_n3A_631 = arith.select %le3A, %exp3A_628, %broadcast_in_dim3A_630 : vector<512x512xi1>, vector<512x512xf32>
    %convert_element_type3A_632 = arith.truncf %select_n3A_631 : vector<512x512xf32> to vector<512x512xbf16>
    %slice3A_633 = vector.extract_strided_slice %concatenate3A_174 {offsets = [0, 0], sizes = [1856, 40], strides = [1, 1]} : vector<2368x40xbf16> to vector<1856x40xbf16>
    %dot_general3A_634 = arith.constant dense<0.000000e+00> : vector<512x40xf32>
    %dot_general3A_635 = tpu.matmul %convert_element_type3A_627, %slice3A_633, %dot_general3A_634 {dimension_numbers = #tpu.dot_dimension_numbers<[1], [0], [0], [1], [0, 0, 1, 1], [], []>, transpose_lhs_hint = false} : vector<512x1856xbf16>, vector<1856x40xbf16>, vector<512x40xf32> -> vector<512x40xf32>
    %slice3A_636 = vector.extract_strided_slice %concatenate3A_174 {offsets = [1856, 0], sizes = [512, 40], strides = [1, 1]} : vector<2368x40xbf16> to vector<512x40xbf16>
    %dot_general3A_637 = arith.constant dense<0.000000e+00> : vector<512x40xf32>
    %dot_general3A_638 = tpu.matmul %convert_element_type3A_632, %slice3A_636, %dot_general3A_637 {dimension_numbers = #tpu.dot_dimension_numbers<[1], [0], [0], [1], [0, 0, 1, 1], [], []>, transpose_lhs_hint = false} : vector<512x512xbf16>, vector<512x40xbf16>, vector<512x40xf32> -> vector<512x40xf32>
    %add3A_639 = arith.addf %dot_general3A_635, %dot_general3A_638 : vector<512x40xf32>
    %slice3A_640 = vector.extract_strided_slice %add3A_639 {offsets = [0, 0], sizes = [512, 32], strides = [1, 1]} : vector<512x40xf32> to vector<512x32xf32>
    %slice3A_641 = vector.extract_strided_slice %add3A_639 {offsets = [0, 32], sizes = [512, 1], strides = [1, 1]} : vector<512x40xf32> to vector<512x1xf32>
    %div3A_642 = arith.constant 1.000000e+00 : f32
    %div3A_643 = vector.broadcast %div3A_642 : f32 to vector<512x1xf32>
    %div3A_644 = arith.divf %div3A_643, %slice3A_641 : vector<512x1xf32>
    %mul3A_645 = vector.broadcast %div3A_644 : vector<512x1xf32> to vector<512x32xf32>
    %mul3A_646 = arith.mulf %slice3A_640, %mul3A_645 : vector<512x32xf32>
    %slice3A_647 = vector.extract_strided_slice %concatenate3A_201 {offsets = [1536, 0], sizes = [512, 160], strides = [1, 1]} : vector<2048x160xbf16> to vector<512x160xbf16>
    %slice3A_648 = vector.extract_strided_slice %concatenate3A_210 {offsets = [0, 0], sizes = [1856, 160], strides = [1, 1]} : vector<2368x160xbf16> to vector<1856x160xbf16>
    %dot_general3A_649 = arith.constant dense<0.000000e+00> : vector<512x1856xf32>
    %dot_general3A_650 = tpu.matmul %slice3A_647, %slice3A_648, %dot_general3A_649 {dimension_numbers = #tpu.dot_dimension_numbers<[1], [1], [0], [0], [0, 0, 1, 0], [], []>, transpose_lhs_hint = false} : vector<512x160xbf16>, vector<1856x160xbf16>, vector<512x1856xf32> -> vector<512x1856xf32>
    %slice3A_651 = vector.extract_strided_slice %concatenate3A_201 {offsets = [1536, 0], sizes = [512, 160], strides = [1, 1]} : vector<2048x160xbf16> to vector<512x160xbf16>
    %slice3A_652 = vector.extract_strided_slice %concatenate3A_210 {offsets = [1856, 0], sizes = [512, 160], strides = [1, 1]} : vector<2368x160xbf16> to vector<512x160xbf16>
    %dot_general3A_653 = arith.constant dense<0.000000e+00> : vector<512x512xf32>
    %dot_general3A_654 = tpu.matmul %slice3A_651, %slice3A_652, %dot_general3A_653 {dimension_numbers = #tpu.dot_dimension_numbers<[1], [1], [0], [0], [0, 0, 1, 0], [], []>, transpose_lhs_hint = false} : vector<512x160xbf16>, vector<512x160xbf16>, vector<512x512xf32> -> vector<512x512xf32>
    %exp3A_655 = math.exp %dot_general3A_650 : vector<512x1856xf32>
    %convert_element_type3A_656 = arith.truncf %exp3A_655 : vector<512x1856xf32> to vector<512x1856xbf16>
    %exp3A_657 = math.exp %dot_general3A_654 : vector<512x512xf32>
    %jit3A_658 = arith.constant 0.000000e+00 : f32
    %broadcast_in_dim3A_659 = vector.broadcast %jit3A_658 : f32 to vector<512x512xf32>
    %select_n3A_660 = arith.select %le3A, %exp3A_657, %broadcast_in_dim3A_659 : vector<512x512xi1>, vector<512x512xf32>
    %convert_element_type3A_661 = arith.truncf %select_n3A_660 : vector<512x512xf32> to vector<512x512xbf16>
    %slice3A_662 = vector.extract_strided_slice %concatenate3A_211 {offsets = [0, 0], sizes = [1856, 40], strides = [1, 1]} : vector<2368x40xbf16> to vector<1856x40xbf16>
    %dot_general3A_663 = arith.constant dense<0.000000e+00> : vector<512x40xf32>
    %dot_general3A_664 = tpu.matmul %convert_element_type3A_656, %slice3A_662, %dot_general3A_663 {dimension_numbers = #tpu.dot_dimension_numbers<[1], [0], [0], [1], [0, 0, 1, 1], [], []>, transpose_lhs_hint = false} : vector<512x1856xbf16>, vector<1856x40xbf16>, vector<512x40xf32> -> vector<512x40xf32>
    %slice3A_665 = vector.extract_strided_slice %concatenate3A_211 {offsets = [1856, 0], sizes = [512, 40], strides = [1, 1]} : vector<2368x40xbf16> to vector<512x40xbf16>
    %dot_general3A_666 = arith.constant dense<0.000000e+00> : vector<512x40xf32>
    %dot_general3A_667 = tpu.matmul %convert_element_type3A_661, %slice3A_665, %dot_general3A_666 {dimension_numbers = #tpu.dot_dimension_numbers<[1], [0], [0], [1], [0, 0, 1, 1], [], []>, transpose_lhs_hint = false} : vector<512x512xbf16>, vector<512x40xbf16>, vector<512x40xf32> -> vector<512x40xf32>
    %add3A_668 = arith.addf %dot_general3A_664, %dot_general3A_667 : vector<512x40xf32>
    %slice3A_669 = vector.extract_strided_slice %add3A_668 {offsets = [0, 0], sizes = [512, 32], strides = [1, 1]} : vector<512x40xf32> to vector<512x32xf32>
    %slice3A_670 = vector.extract_strided_slice %add3A_668 {offsets = [0, 32], sizes = [512, 1], strides = [1, 1]} : vector<512x40xf32> to vector<512x1xf32>
    %div3A_671 = arith.constant 1.000000e+00 : f32
    %div3A_672 = vector.broadcast %div3A_671 : f32 to vector<512x1xf32>
    %div3A_673 = arith.divf %div3A_672, %slice3A_670 : vector<512x1xf32>
    %mul3A_674 = vector.broadcast %div3A_673 : vector<512x1xf32> to vector<512x32xf32>
    %mul3A_675 = arith.mulf %slice3A_669, %mul3A_674 : vector<512x32xf32>
    %concatenate3A_676 = tpu.concatenate %mul3A_588, %mul3A_617, %mul3A_646, %mul3A_675 in 1 : vector<512x32xf32>, vector<512x32xf32>, vector<512x32xf32>, vector<512x32xf32> -> vector<512x128xf32>
    %concatenate3A_677 = tpu.concatenate %concatenate3A_325, %concatenate3A_442, %concatenate3A_559, %concatenate3A_676 in 0 : vector<512x128xf32>, vector<512x128xf32>, vector<512x128xf32>, vector<512x128xf32> -> vector<2048x128xf32>
    %convert_element_type3A_678 = arith.truncf %concatenate3A_677 : vector<2048x128xf32> to vector<2048x128xbf16>
    %get3A_679 = arith.constant 0 : index
    %get3A_680 = arith.constant 0 : index
    %get3A_681 = vector.load %arg11[%get3A_679, %get3A_680] : memref<128x128xf32, #tpu.memory_space<vmem>>, vector<128x128xf32>
    %dot_general3A_682 = arith.constant dense<0.000000e+00> : vector<2048x128xf32>
    %dot_general3A_683 = tpu.matmul %convert_element_type3A_678, %get3A_681, %dot_general3A_682 {dimension_numbers = #tpu.dot_dimension_numbers<[1], [0], [0], [1], [0, 0, 1, 1], [], []>, transpose_lhs_hint = false} : vector<2048x128xbf16>, vector<128x128xf32>, vector<2048x128xf32> -> vector<2048x128xf32>
    %get3A_684 = arith.constant 0 : index
    %get3A_685 = arith.constant 0 : index
    %get3A_686 = vector.load %arg12[%get3A_684, %get3A_685] : memref<1x128xf32, #tpu.memory_space<vmem>>, vector<1x128xf32>
    %add3A_687 = vector.broadcast %get3A_686 : vector<1x128xf32> to vector<2048x128xf32>
    %add3A_688 = arith.addf %dot_general3A_683, %add3A_687 : vector<2048x128xf32>
    %add3A_689 = arith.addf %mul3A_5, %add3A_688 : vector<2048x128xf32>
    %get3A_690 = arith.constant 0 : index
    %get3A_691 = arith.constant 0 : index
    %get3A_692 = vector.load %arg13[%get3A_690, %get3A_691] : memref<1x128xf32, #tpu.memory_space<vmem>>, vector<1x128xf32>
    %get3A_693 = arith.constant 0 : index
    %get3A_694 = arith.constant 0 : index
    %get3A_695 = vector.load %arg14[%get3A_693, %get3A_694] : memref<1x128xf32, #tpu.memory_space<vmem>>, vector<1x128xf32>
    %reduce_sum3A = arith.constant dense<0.000000e+00> : vector<2048xf32>
    %reduce_sum3A_696 = vector.multi_reduction <add>, %add3A_689, %reduce_sum3A [1] : vector<2048x128xf32> to vector<2048xf32>
    %broadcast_in_dim3A_697 = vector.shape_cast %reduce_sum3A_696 : vector<2048xf32> to vector<2048x1xf32>
    %div3A_698 = arith.constant 1.280000e+02 : f32
    %div3A_699 = vector.broadcast %div3A_698 : f32 to vector<2048x1xf32>
    %div3A_700 = arith.divf %broadcast_in_dim3A_697, %div3A_699 : vector<2048x1xf32>
    %sub3A = vector.broadcast %div3A_700 : vector<2048x1xf32> to vector<2048x128xf32>
    %sub3A_701 = arith.subf %add3A_689, %sub3A : vector<2048x128xf32>
    %mul3A_702 = arith.mulf %sub3A_701, %sub3A_701 : vector<2048x128xf32>
    %reduce_sum3A_703 = arith.constant dense<0.000000e+00> : vector<2048xf32>
    %reduce_sum3A_704 = vector.multi_reduction <add>, %mul3A_702, %reduce_sum3A_703 [1] : vector<2048x128xf32> to vector<2048xf32>
    %broadcast_in_dim3A_705 = vector.shape_cast %reduce_sum3A_704 : vector<2048xf32> to vector<2048x1xf32>
    %div3A_706 = arith.constant 1.280000e+02 : f32
    %div3A_707 = vector.broadcast %div3A_706 : f32 to vector<2048x1xf32>
    %div3A_708 = arith.divf %broadcast_in_dim3A_705, %div3A_707 : vector<2048x1xf32>
    %mul3A_709 = vector.broadcast %get3A_692 : vector<1x128xf32> to vector<2048x128xf32>
    %mul3A_710 = arith.mulf %mul3A_709, %sub3A_701 : vector<2048x128xf32>
    %add3A_711 = arith.constant 9.99999974E-6 : f32
    %add3A_712 = vector.broadcast %add3A_711 : f32 to vector<2048x1xf32>
    %add3A_713 = arith.addf %div3A_708, %add3A_712 : vector<2048x1xf32>
    %sqrt3A = math.sqrt %add3A_713 : vector<2048x1xf32>
    %div3A_714 = vector.broadcast %sqrt3A : vector<2048x1xf32> to vector<2048x128xf32>
    %div3A_715 = arith.divf %mul3A_710, %div3A_714 : vector<2048x128xf32>
    %add3A_716 = vector.broadcast %get3A_695 : vector<1x128xf32> to vector<2048x128xf32>
    %add3A_717 = arith.addf %div3A_715, %add3A_716 : vector<2048x128xf32>
    %get3A_718 = arith.constant 0 : index
    %get3A_719 = arith.constant 0 : index
    %get3A_720 = vector.load %arg15[%get3A_718, %get3A_719] : memref<128x512xf32, #tpu.memory_space<vmem>>, vector<128x512xf32>
    %dot_general3A_721 = arith.constant dense<0.000000e+00> : vector<2048x512xf32>
    %dot_general3A_722 = tpu.matmul %add3A_717, %get3A_720, %dot_general3A_721 {dimension_numbers = #tpu.dot_dimension_numbers<[1], [0], [0], [1], [0, 0, 1, 1], [], []>, transpose_lhs_hint = false} : vector<2048x128xf32>, vector<128x512xf32>, vector<2048x512xf32> -> vector<2048x512xf32>
    %get3A_723 = arith.constant 0 : index
    %get3A_724 = arith.constant 0 : index
    %get3A_725 = vector.load %arg16[%get3A_723, %get3A_724] : memref<1x512xf32, #tpu.memory_space<vmem>>, vector<1x512xf32>
    %add3A_726 = vector.broadcast %get3A_725 : vector<1x512xf32> to vector<2048x512xf32>
    %add3A_727 = arith.addf %dot_general3A_722, %add3A_726 : vector<2048x512xf32>
    %max3A = arith.constant 0.000000e+00 : f32
    %max3A_728 = vector.broadcast %max3A : f32 to vector<2048x512xf32>
    %max3A_729 = arith.maximumf %add3A_727, %max3A_728 : vector<2048x512xf32>
    %get3A_730 = arith.constant 0 : index
    %get3A_731 = arith.constant 0 : index
    %get3A_732 = vector.load %arg17[%get3A_730, %get3A_731] : memref<512x128xf32, #tpu.memory_space<vmem>>, vector<512x128xf32>
    %dot_general3A_733 = arith.constant dense<0.000000e+00> : vector<2048x128xf32>
    %dot_general3A_734 = tpu.matmul %max3A_729, %get3A_732, %dot_general3A_733 {dimension_numbers = #tpu.dot_dimension_numbers<[1], [0], [0], [1], [0, 0, 1, 1], [], []>, transpose_lhs_hint = false} : vector<2048x512xf32>, vector<512x128xf32>, vector<2048x128xf32> -> vector<2048x128xf32>
    %get3A_735 = arith.constant 0 : index
    %get3A_736 = arith.constant 0 : index
    %get3A_737 = vector.load %arg18[%get3A_735, %get3A_736] : memref<1x128xf32, #tpu.memory_space<vmem>>, vector<1x128xf32>
    %add3A_738 = vector.broadcast %get3A_737 : vector<1x128xf32> to vector<2048x128xf32>
    %add3A_739 = arith.addf %dot_general3A_734, %add3A_738 : vector<2048x128xf32>
    %add3A_740 = arith.addf %add3A_717, %add3A_739 : vector<2048x128xf32>
    %get3A_741 = arith.constant 0 : index
    %get3A_742 = arith.constant 0 : index
    %get3A_743 = vector.load %arg19[%get3A_741, %get3A_742] : memref<1x128xf32, #tpu.memory_space<vmem>>, vector<1x128xf32>
    %get3A_744 = arith.constant 0 : index
    %get3A_745 = arith.constant 0 : index
    %get3A_746 = vector.load %arg20[%get3A_744, %get3A_745] : memref<1x128xf32, #tpu.memory_space<vmem>>, vector<1x128xf32>
    %reduce_sum3A_747 = arith.constant dense<0.000000e+00> : vector<2048xf32>
    %reduce_sum3A_748 = vector.multi_reduction <add>, %add3A_740, %reduce_sum3A_747 [1] : vector<2048x128xf32> to vector<2048xf32>
    %broadcast_in_dim3A_749 = vector.shape_cast %reduce_sum3A_748 : vector<2048xf32> to vector<2048x1xf32>
    %div3A_750 = arith.constant 1.280000e+02 : f32
    %div3A_751 = vector.broadcast %div3A_750 : f32 to vector<2048x1xf32>
    %div3A_752 = arith.divf %broadcast_in_dim3A_749, %div3A_751 : vector<2048x1xf32>
    %sub3A_753 = vector.broadcast %div3A_752 : vector<2048x1xf32> to vector<2048x128xf32>
    %sub3A_754 = arith.subf %add3A_740, %sub3A_753 : vector<2048x128xf32>
    %mul3A_755 = arith.mulf %sub3A_754, %sub3A_754 : vector<2048x128xf32>
    %reduce_sum3A_756 = arith.constant dense<0.000000e+00> : vector<2048xf32>
    %reduce_sum3A_757 = vector.multi_reduction <add>, %mul3A_755, %reduce_sum3A_756 [1] : vector<2048x128xf32> to vector<2048xf32>
    %broadcast_in_dim3A_758 = vector.shape_cast %reduce_sum3A_757 : vector<2048xf32> to vector<2048x1xf32>
    %div3A_759 = arith.constant 1.280000e+02 : f32
    %div3A_760 = vector.broadcast %div3A_759 : f32 to vector<2048x1xf32>
    %div3A_761 = arith.divf %broadcast_in_dim3A_758, %div3A_760 : vector<2048x1xf32>
    %mul3A_762 = vector.broadcast %get3A_743 : vector<1x128xf32> to vector<2048x128xf32>
    %mul3A_763 = arith.mulf %mul3A_762, %sub3A_754 : vector<2048x128xf32>
    %add3A_764 = arith.constant 9.99999974E-6 : f32
    %add3A_765 = vector.broadcast %add3A_764 : f32 to vector<2048x1xf32>
    %add3A_766 = arith.addf %div3A_761, %add3A_765 : vector<2048x1xf32>
    %sqrt3A_767 = math.sqrt %add3A_766 : vector<2048x1xf32>
    %div3A_768 = vector.broadcast %sqrt3A_767 : vector<2048x1xf32> to vector<2048x128xf32>
    %div3A_769 = arith.divf %mul3A_763, %div3A_768 : vector<2048x128xf32>
    %add3A_770 = vector.broadcast %get3A_746 : vector<1x128xf32> to vector<2048x128xf32>
    %add3A_771 = arith.addf %div3A_769, %add3A_770 : vector<2048x128xf32>
    %swap3A = arith.constant 0 : index
    %swap3A_772 = arith.constant 0 : index
    %swap3A_773 = arith.constant 0 : index
    %swap3A_774 = vector.load %arg21[%swap3A, %swap3A_772, %swap3A_773] : memref<1x2048x128xf32, #tpu.memory_space<vmem>>, vector<1x2048x128xf32>
    %swap3A_775 = vector.shape_cast %swap3A_774 : vector<1x2048x128xf32> to vector<2048x128xf32>
    %swap3A_776 = vector.shape_cast %add3A_771 : vector<2048x128xf32> to vector<1x2048x128xf32>
    tpu.vector_store %arg21[%swap3A, %swap3A_772, %swap3A_773], %swap3A_776 {strides = array<i32>} : memref<1x2048x128xf32, #tpu.memory_space<vmem>>, vector<1x2048x128xf32>,
    return
  }
  func.func @transform_0(%arg0: i32) -> (i32, i32, i32) {
    %c0_i32 = arith.constant 0 : i32
    %c0_i32_0 = arith.constant 0 : i32
    %c0_i32_1 = arith.constant 0 : i32
    return %arg0, %c0_i32, %c0_i32_0 : i32, i32, i32
  }
  func.func @transform_1(%arg0: i32) -> (i32, i32, i32) {
    %c0_i32 = arith.constant 0 : i32
    %c0_i32_0 = arith.constant 0 : i32
    %c0_i32_1 = arith.constant 0 : i32
    return %arg0, %c0_i32, %c0_i32_0 : i32, i32, i32
  }
  func.func @transform_2(%arg0: i32) -> (i32, i32) {
    %c0_i32 = arith.constant 0 : i32
    %c0_i32_0 = arith.constant 0 : i32
    %c0_i32_1 = arith.constant 0 : i32
    return %c0_i32, %c0_i32_0 : i32, i32
  }
  func.func @transform_3(%arg0: i32) -> (i32, i32) {
    %c0_i32 = arith.constant 0 : i32
    %c0_i32_0 = arith.constant 0 : i32
    %c0_i32_1 = arith.constant 0 : i32
    return %c0_i32, %c0_i32_0 : i32, i32
  }
  func.func @transform_4(%arg0: i32) -> (i32, i32) {
    %c0_i32 = arith.constant 0 : i32
    %c0_i32_0 = arith.constant 0 : i32
    %c0_i32_1 = arith.constant 0 : i32
    return %c0_i32, %c0_i32_0 : i32, i32
  }
  func.func @transform_5(%arg0: i32) -> (i32, i32) {
    %c0_i32 = arith.constant 0 : i32
    %c0_i32_0 = arith.constant 0 : i32
    %c0_i32_1 = arith.constant 0 : i32
    return %c0_i32, %c0_i32_0 : i32, i32
  }
  func.func @transform_6(%arg0: i32) -> (i32, i32) {
    %c0_i32 = arith.constant 0 : i32
    %c0_i32_0 = arith.constant 0 : i32
    %c0_i32_1 = arith.constant 0 : i32
    return %c0_i32, %c0_i32_0 : i32, i32
  }
  func.func @transform_7(%arg0: i32) -> (i32, i32) {
    %c0_i32 = arith.constant 0 : i32
    %c0_i32_0 = arith.constant 0 : i32
    %c0_i32_1 = arith.constant 0 : i32
    return %c0_i32, %c0_i32_0 : i32, i32
  }
  func.func @transform_8(%arg0: i32) -> (i32, i32) {
    %c0_i32 = arith.constant 0 : i32
    %c0_i32_0 = arith.constant 0 : i32
    %c0_i32_1 = arith.constant 0 : i32
    return %c0_i32, %c0_i32_0 : i32, i32
  }
  func.func @transform_9(%arg0: i32) -> (i32, i32) {
    %c0_i32 = arith.constant 0 : i32
    %c0_i32_0 = arith.constant 0 : i32
    %c0_i32_1 = arith.constant 0 : i32
    return %c0_i32, %c0_i32_0 : i32, i32
  }
  func.func @transform_10(%arg0: i32) -> (i32, i32) {
    %c0_i32 = arith.constant 0 : i32
    %c0_i32_0 = arith.constant 0 : i32
    %c0_i32_1 = arith.constant 0 : i32
    return %c0_i32, %c0_i32_0 : i32, i32
  }
  func.func @transform_11(%arg0: i32) -> (i32, i32) {
    %c0_i32 = arith.constant 0 : i32
    %c0_i32_0 = arith.constant 0 : i32
    %c0_i32_1 = arith.constant 0 : i32
    return %c0_i32, %c0_i32_0 : i32, i32
  }
  func.func @transform_12(%arg0: i32) -> (i32, i32) {
    %c0_i32 = arith.constant 0 : i32
    %c0_i32_0 = arith.constant 0 : i32
    %c0_i32_1 = arith.constant 0 : i32
    return %c0_i32, %c0_i32_0 : i32, i32
  }
  func.func @transform_13(%arg0: i32) -> (i32, i32) {
    %c0_i32 = arith.constant 0 : i32
    %c0_i32_0 = arith.constant 0 : i32
    %c0_i32_1 = arith.constant 0 : i32
    return %c0_i32, %c0_i32_0 : i32, i32
  }
  func.func @transform_14(%arg0: i32) -> (i32, i32) {
    %c0_i32 = arith.constant 0 : i32
    %c0_i32_0 = arith.constant 0 : i32
    %c0_i32_1 = arith.constant 0 : i32
    return %c0_i32, %c0_i32_0 : i32, i32
  }
  func.func @transform_15(%arg0: i32) -> (i32, i32) {
    %c0_i32 = arith.constant 0 : i32
    %c0_i32_0 = arith.constant 0 : i32
    %c0_i32_1 = arith.constant 0 : i32
    return %c0_i32, %c0_i32_0 : i32, i32
  }
  func.func @transform_16(%arg0: i32) -> (i32, i32) {
    %c0_i32 = arith.constant 0 : i32
    %c0_i32_0 = arith.constant 0 : i32
    %c0_i32_1 = arith.constant 0 : i32
    return %c0_i32, %c0_i32_0 : i32, i32
  }
  func.func @transform_17(%arg0: i32) -> (i32, i32) {
    %c0_i32 = arith.constant 0 : i32
    %c0_i32_0 = arith.constant 0 : i32
    %c0_i32_1 = arith.constant 0 : i32
    return %c0_i32, %c0_i32_0 : i32, i32
  }
  func.func @transform_18(%arg0: i32) -> (i32, i32) {
    %c0_i32 = arith.constant 0 : i32
    %c0_i32_0 = arith.constant 0 : i32
    %c0_i32_1 = arith.constant 0 : i32
    return %c0_i32, %c0_i32_0 : i32, i32
  }
  func.func @transform_19(%arg0: i32) -> (i32, i32) {
    %c0_i32 = arith.constant 0 : i32
    %c0_i32_0 = arith.constant 0 : i32
    %c0_i32_1 = arith.constant 0 : i32
    return %c0_i32, %c0_i32_0 : i32, i32
  }
  func.func @transform_20(%arg0: i32) -> (i32, i32, i32) {
    %c0_i32 = arith.constant 0 : i32
    %c0_i32_0 = arith.constant 0 : i32
    %c0_i32_1 = arith.constant 0 : i32
    return %arg0, %c0_i32, %c0_i32_0 : i32, i32, i32
  }
}

</mosaic_0001>

<sc_bundles>
// kernel: kernel.4.cloned.1.call-start
scs
__scs_entry_jumppad:
0x0: {  	(pc) =	sbr.rel $0x88, $3  }
0x1: {  	(tag) =	ssettag $0x0;
	lr =	simm.s32 $0x1  }
0x2: {  	[smem:$0x3F8F] =	sst lr;
	_ =	strace $0xD0000000  }
0x3: {  	_ = 	snop  }
0x4: {  	_ = 	snop  }
0x5: {  	_ = 	snop  }
0x6: {  	_ = 	snop  }
0x7: {  	_ = 	snop  }
__scs_overlays_trampoline_lowered:
0x8: {  	[smem:$0x3F9E] =	sst s0  }
0x9: {  	[smem:$0x3F9F] =	sst s1  }
0xa: {  	[smem:$0x3FA0] =	sst s2  }
0xb: {  	[smem:$0x3FA1] =	sst s3  }
0xc: {  	[smem:$0x3FA2] =	sst s4  }
0xd: {  	[smem:$0x3FA3] =	sst s5  }
0xe: {  	[smem:$0x3FA4] =	sst s6  }
0xf: {  	[smem:$0x3FA5] =	sst s7  }
0x10: {  	[smem:$0x3FA6] =	sst s8  }
0x11: {  	[smem:$0x3FA7] =	sst s9;
	s0 =	simm.s32 @!p0 $0x0  }
0x12: {  	s1 =	sld [smem:$0x3F8D];
	s0 =	simm.s32 @p0 $0x1  }
0x13: {  	[smem:$0x3FA8] =	sst s0;
	s0 =	simm.s32 @!p1 $0x0  }
0x14: {  	s2 =	sld [smem:$0x3F8C];
	s0 =	simm.s32 @p1 $0x1  }
0x15: {  	[smem:$0x3FA9] =	sst s0;
	s0 =	simm.s32 @!p2 $0x0  }
0x16: {  	s3 =	sld [smem:$0x3FDB];
	s0 =	simm.s32 @p2 $0x1  }
0x17: {  	s4 =	simm.s32 $0x1BF5;
	[smem:$0x3FAB] =	sst s0  }
0x18: {  	s0 =	sld [smem:$0x3F8E];
	_ =	swait.ge [sflag:s4], $0x0  }
0x19: {  	s7 =	sld [smem:$0x3F8F]  }
0x1a: {  	s8 =	sadd.s32 $0xFFFFE003, lr  }
0x1b: {  	s9 =	sadd.s32 $0xFFFFFEF7, lr;
	s5 =	simm.s32 $0xFFFFFFFF;
	p2 =	slt.u32 s8, $0xFFFFF086  }
0x1c: {  	p1 =	slt.u32 s9, $0xF7A;
	s5 =	simm.s32 @!p2 $0x0  }
0x1d: {  	s5 =	simm.s32 @p1 $0x1;
	p0 =	seq.s32 s7, s2  }
0x1e: {  	s7 =	smul.u32 @!p0 $0xF7A, s2;
	p2 =	seq.s32 @!p0 s5, $0x0  }
0x1f: {  	s9 =	smul.u32 $0xF7A, s1;
	s8 =	simm.s32 @!p0 $0x1BF5;
	p2 =	por !p2, p0  }
0x20: {  	[sflag:s8] =	ssyncset.s32 @!p0 $0xFFFFF086;
	s6 =	sadd.s32 @!p0 s3, s7;
	s7 =	simm.s32 @!p0 $0x108  }
0x21: {  	s3 =	sadd.s32 s3, s9;
	s6 =	sadd.s32 @!p0 $0x88, s6;
	s7 =	simm.s32 @p2 $0x1082  }
0x22: {  	[simem:s7], [sflag:s8] =	dma.local @!p0 [hbm:s6], $0xF7A  }
0x23: {  	s9 =	sor.u32 $0xD0000000, s2;
	s6 =	simm.s32 $0x108;
	_ =	swait.ge @!p0 [sflag:s8], $0x0  }
0x24: {  	s3 =	sadd.s32 $0x88, s3;
	s6 =	simm.s32 @!p1 $0x1082;
	[sflag:s4] =	ssyncset.s32 $0xFFFFF086  }
0x25: {  	[simem:s6], [sflag:s4] =	dma.local [hbm:s3], $0xF7A  }
0x26: {  	[smem:$0x3F8F] =	sst s1;
	(tag) =	ssettag s2;
	_ =	strace s9  }
0x27: {  	s1 =	sld [smem:$0x3F9F]  }
0x28: {  	s2 =	sld [smem:$0x3FA0]  }
0x29: {  	s4 =	sld [smem:$0x3FA2]  }
0x2a: {  	p0 =	seq.s32 s5, $0x0;
	s5 =	sld [smem:$0x3FA3]  }
0x2b: {  	s6 =	sld [smem:$0x3FA4]  }
0x2c: {  	s7 =	sld [smem:$0x3FA5]  }
0x2d: {  	s3 =	simm.s32 $0x108;
	s8 =	sld [smem:$0x3FA6]  }
0x2e: {  	s3 =	simm.s32 @!p0 $0x1082;
	s9 =	sld [smem:$0x3FA7]  }
0x2f: {  	lr =	sadd.s32 s0, s3;
	s0 =	sld [smem:$0x3F9E]  }
0x30: {  	s3 =	sld [smem:$0x3FA1]  }
0x31: {  	[smem:$0x3FAA] =	sst s10  }
0x32: {  	s10 =	sld [smem:$0x3FA8];
	_ =	sdelay $0x3  }
0x33: {  	p0 =	seq.s32 s10, $0x1;
	s10 =	sld [smem:$0x3FAA];
	_ =	sdelay $0x3  }
0x34: {  	[smem:$0x3FAA] =	sst s10  }
0x35: {  	s10 =	sld [smem:$0x3FA9];
	_ =	sdelay $0x3  }
0x36: {  	p1 =	seq.s32 s10, $0x1;
	s10 =	sld [smem:$0x3FAA];
	_ =	sdelay $0x3  }
0x37: {  	[smem:$0x3FAA] =	sst s10  }
0x38: {  	s10 =	sld [smem:$0x3FAB]  }
0x39: {  	_ = 	snop;
	(pc) =	sbr.ind lr, $3  }
0x3a: {  	_ = 	snop  }
0x3b: {  	_ = 	snop  }
0x3c: {  	p2 =	seq.s32 s10, $0x1;
	s10 =	sld [smem:$0x3FAA]  }
0x3d: {  	_ =	shalt  }
0x3e: {  	_ =	shalt  }
0x3f: {  	_ =	shalt  }
0x40: {  	_ =	shalt  }
0x41: {  	_ =	shalt  }
0x42: {  	_ =	shalt  }
0x43: {  	_ =	shalt  }
0x44: {  	_ =	shalt  }
0x45: {  	_ =	shalt  }
0x46: {  	_ =	shalt  }
0x47: {  	_ =	shalt  }
0x48: {  	_ =	shalt  }
0x49: {  	_ =	shalt  }
0x4a: {  	_ =	shalt  }
0x4b: {  	_ =	shalt  }
0x4c: {  	_ =	shalt  }
0x4d: {  	_ =	shalt  }
0x4e: {  	_ =	shalt  }
0x4f: {  	_ =	shalt  }
0x50: {  	_ =	shalt  }
0x51: {  	_ =	shalt  }
0x52: {  	_ =	shalt  }
0x53: {  	_ =	shalt  }
0x54: {  	_ =	shalt  }
0x55: {  	_ =	shalt  }
0x56: {  	_ =	shalt  }
0x57: {  	_ =	shalt  }
0x58: {  	_ =	shalt  }
0x59: {  	_ =	shalt  }
0x5a: {  	_ =	shalt  }
0x5b: {  	_ =	shalt  }
0x5c: {  	_ =	shalt  }
0x5d: {  	_ =	shalt  }
0x5e: {  	_ =	shalt  }
0x5f: {  	_ =	shalt  }
0x60: {  	_ =	shalt  }
0x61: {  	_ =	shalt  }
0x62: {  	_ =	shalt  }
0x63: {  	_ =	shalt  }
0x64: {  	_ =	shalt  }
0x65: {  	_ =	shalt  }
0x66: {  	_ =	shalt  }
0x67: {  	_ =	shalt  }
0x68: {  	_ =	shalt  }
0x69: {  	_ =	shalt  }
0x6a: {  	_ =	shalt  }
0x6b: {  	_ =	shalt  }
0x6c: {  	_ =	shalt  }
0x6d: {  	_ =	shalt  }
0x6e: {  	_ =	shalt  }
0x6f: {  	_ =	shalt  }
0x70: {  	_ =	shalt  }
0x71: {  	_ =	shalt  }
0x72: {  	_ =	shalt  }
0x73: {  	_ =	shalt  }
0x74: {  	_ =	shalt  }
0x75: {  	_ =	shalt  }
0x76: {  	_ =	shalt  }
0x77: {  	_ =	shalt  }
0x78: {  	_ =	shalt  }
0x79: {  	_ =	shalt  }
0x7a: {  	_ =	shalt  }
0x7b: {  	_ =	shalt  }
0x7c: {  	_ =	shalt  }
0x7d: {  	_ =	shalt  }
0x7e: {  	_ =	shalt  }
0x7f: {  	_ =	shalt  }
0x80: {  	_ =	shalt  }
0x81: {  	_ =	shalt  }
0x82: {  	_ =	shalt  }
0x83: {  	_ =	shalt  }
0x84: {  	_ =	shalt  }
0x85: {  	_ =	shalt  }
0x86: {  	_ =	shalt  }
0x87: {  	_ =	shalt  }
.Lfunc_end0:
.L_simem_size_0:
called_computation_lowered:
.L_overlay_start_0:
0x88: {  	s2 =	sld [smem:$0x3FD9]  }
0x89: {  	s3 =	sld [smem:$0x3FFE];
	_ =	sdelay $0x1  }
0x8a: {  	s1 =	srdreg.scid  }
0x8b: {  	s0 =	sand.u32 $0x1, s1  }
0x8c: {  	s17 =	sshll.u32 s0, $0xA;
	s2 =	sadd.s32 s3, s2  }
0x8d: {  	s2 =	sadd.s32 s2, s17  }
0x8e: {  	[smem:$0x3FB6] =	sst s2  }
0x8f: {  	_ = 	snop  }
0x90: {  	s2 =	sld [smem:$0x3FC8]  }
0x91: {  	s18 =	sld [smem:$0x3FD0];
	(tm) =	ssettm $0x1  }
0x92: {  	s4 =	sld [smem:$0x3FFB];
	_ =	sdelay $0x3  }
0x93: {  	_ =	strace s4  }
0x94: {  	s4 =	sld [smem:$0x3FFC];
	_ =	sdelay $0x3  }
0x95: {  	_ =	strace s4  }
0x96: {  	s4 =	sld [smem:$0x3FFD];
	_ =	sdelay $0x3  }
0x97: {  	_ =	strace s4  }
0x98: {  	_ =	strace $0x8FFFFFFF  }
0x99: {  	s19 =	sld [smem:$0x3FDB];
	_ =	sdelay $0x1  }
0x9a: {  	s5 =	simm.s32 $_scs_section_size  }
0x9b: {  	s6 =	simm.s32 $_size__tile_overlayer_lowered;
	s7 =	simm.s32 $_tile_overlayer_lowered  }
0x9c: {  	s22 =	simm.s32 $0x1BFF;
	s21 =	sshll.u32 s7, $0x1;
	s4 =	sadd.s32 s5, s19  }
0x9d: {  	s8 =	simm.s32 $0x0;
	s20 =	sshll.u32 s6, $0x1;
	s6 =	sadd.s32 s21, s4  }
0x9e: {  	[timem:s8], [sflag:s22] =	dma.local [hbm:s6], s20  }
0x9f: {  	_ =	swait.ge [sflag:s22], s20  }
0xa0: {  	s5 =	ssub.s32 $0x0, s20;
	[sflag:s22] =	ssyncset.done $0x0  }
0xa1: {  	[sflag:s22] =	ssyncadd.s32 s5;
	_ =	sdelay $0x1  }
0xa2: {  	s23 =	simm.s32 $0x1B8B  }
0xa3: {  	_ =	swait.ge [sflag:s23], $0x1  }
0xa4: {  	[sflag:s23] =	ssyncset.done $0x0  }
0xa5: {  	s25 =	simm.s32 $0x1B8E;
	s24 =	sld [smem:$0x3FFE];
	[sflag:s23] =	ssyncadd.s32 $0xFFFFFFFF  }
0xa6: {  	s26 =	simm.s32 $execute0_lowered;
	[smem:$0x3FD2] =	sst s25  }
0xa7: {  	s6 =	sshll.u32 s26, $0x1;
	_ =	strace $0x80000046;
	[dreg:$0x1] =	wrdreg $0xFFFFFFFF  }
0xa8: {  	s28 =	simm.s32 $_size_execute0_lowered;
	s4 =	sadd.s32 s4, s6;
	[dreg:$0x0] =	wrdreg $0x0  }
0xa9: {  	s6 =	sshll.u32 s28, $0x1;
	[dreg:$0x2] =	wrdreg s4  }
0xaa: {  	[dreg:$0x3] =	wrdreg s6  }
0xab: {  	[dreg:$0x4] =	wrdreg $0xC0  }
0xac: {  	_ =	task [dreg:s8], $0x5FFFF  }
0xad: {  	[dreg:$0x1] =	wrdreg $0xFFFFFFFF  }
0xae: {  	[dreg:$0x0] =	wrdreg $0x60  }
0xaf: {  	[dreg:$0x2] =	wrdreg s24  }
0xb0: {  	[dreg:$0x3] =	wrdreg s2  }
0xb1: {  	[dreg:$0x4] =	wrdreg s18  }
0xb2: {  	[dreg:$0x5] =	wrdreg $0x9  }
0xb3: {  	_ =	task.clear_ibuf [dreg:s8], $0x6FFFF;
	_ =	strace $0x90000046  }
0xb4: {  	s29 =	simm.s32 $0x9;
	_ =	strace $0x80000048  }
0xb5: {  	_ =	swait.ge [sflag:s29], $0x1  }
0xb6: {  	[sflag:s29] =	ssyncadd.s32 $0xFFFFFFFF  }
0xb7: {  	_ =	strace $0x90000048  }
0xb8: {  	_ =	sfence  }
0xb9: {  	s30 =	sld [smem:$0x0];
	_ =	sdelay $0x2  }
0xba: {  	s31 =	sshll.u32 s1, $0xD;
	s1 =	sshrl.u32 s1, $0x2  }
0xbb: {  	s3 =	sand.u32 $0x4000, s31;
	s1 =	sadd.s32 s1, s30  }
0xbc: {  	s0 =	sor.u32 s3, s0;
	s1 =	sshll.u32 s1, $0x11  }
0xbd: {  	s0 =	sor.u32 s1, s0  }
0xbe: {  	s0 =	sadd.s32 $0x8F2B, s0  }
0xbf: {  	[sflag:s0] =	ssyncadd.remote.s32 $0x1  }
0xc0: {  	_ =	sfence.sel $0xFFFF  }
0xc1: {  	[dreg:$0x0] =	wrdreg $0xFFFFFFFF;
	(pc) =	sbr.abs _section_cstart, $3  }
0xc2: {  	[dreg:$0x1] =	wrdreg $0xFFFFFFFF  }
0xc3: {  	_ =	task.clear_ibuf [dreg:s8], $0x2FFFF;
	_ =	strace $0x9FFFFFFF  }
0xc4: {  	(tm) =	ssettm $0x7FFFFFFF  }
0xc5: {  	_ =	shalt  }
tec
execute0_lowered:
.L_overlay_start_1:
0x0: {  	(tag) =	ssettag $0x1  }
0x1: {  	s4 =	rddreg [dreg:$0x0]  }
0x2: {  	s1 =	srdreg.scid;
	s0 =	stileid.u32  }
0x3: {  	s2 =	rddreg [dreg:$0x1];
	s10 =	sand.u32 $0x1, s1;
	s29 =	sshll.u32 s0, $0x1  }
0x4: {  	s11 =	rddreg [dreg:$0x2];
	s12 =	sor.u32 s10, s29  }
0x5: {  	s3 =	simm.s32 $0x0;
	s1 =	rddreg [dreg:$0x3];
	s5 =	sshll.u32 s12, $0x5  }
0x6: {  	[smem:$0x7FF] =	sst s3;
	s4 =	sadd.s32 s5, s4  }
0x7: {  	_ =	strace $0x80000047;
	s5 =	sadd.s32 $0x2C00, s4;
	s4 =	simm.s32 $0x2  }
0x8: {  	[tilespmem:s3], [sflag:$0x2] =	stream.linear.gather [hbm4b:s5+s3], $0x100, $0x38;
	[tilespmem:$0x8100] =	vst v63  }
0x9: {  	_ =	swait.ge [sflag:s4], $0x100  }
0xa: {  	[sflag:s4] =	ssyncset.done $0x0  }
0xb: {  	s6 =	simm.s32 $0x80;
	s7 =	simm.s32 $0x100;
	[sflag:s4] =	ssyncadd.s32 $0xFFFFFF00  }
0xc: {  	[tilespmem:s7], [sflag:$0x1] =	stream.indirect.gather [hbm4b:s2+s6], $0x80, s3, s6, $0xb8;
	[tilespmem:$0x8100] =	vst v63  }
0xd: {  	s8 =	simm.s32 $0x4100;
	s9 =	simm.s32 $0x1;
	s10 =	ssub.s32 $0x2, s10  }
0xe: {  	[tilespmem:s8], [sflag:$0x1] =	stream.indirect.gather [hbm4b:s2+s6], $0x80, s6, s6, $0xb8;
	[tilespmem:$0x8100] =	vst v63  }
0xf: {  	s13 =	sshrl.u32 s10, $0x1;
	_ =	swait.ge [sflag:s9], $0x4000  }
0x10: {  	s13 =	ssub.s32 s10, s13;
	[sflag:s9] =	ssyncset.done $0x0  }
0x11: {  	s31 =	smax.u32 s13, $0x1;
	[sflag:s9] =	ssyncadd.s32 $0xFFFFC000  }
0x12: {  	p0 =	sne.s32 s31, $0x1;
	_ =	swait.ge [sflag:s9], $0x4000  }
.Ltmp0:
0x13: {  	s30 =	sshll.u32 s12, $0xC;
	[sflag:s9] =	ssyncset.done $0x0;
	(pc) =	sbr.rel @!p0 .LBB2_2-.Ltmp0, $4  }
0x14: {  	s10 =	sadd.s32 s11, s30;
	[sflag:s9] =	ssyncadd.s32 $0xFFFFC000  }
0x15: {  	[hbm4b:s10+s3] =	stream.linear.scatter [tilespmem:s7], [sflag:$0x2], $0x8000, $0x38;
	[tilespmem:$0x8100] =	vst v63  }
0x16: {  	_ =	swait.ge [sflag:s4], $0x8000  }
0x17: {  	s11 =	sadd.s32 $0xFFFFFFFF, s31;
	[sflag:s4] =	ssyncset.done $0x0  }
.LBB2_1:
0x18: {  	p0 =	sne.s32 s11, $0x1;
	s11 =	sadd.s32 $0xFFFFFFFF, s11;
	[sflag:s4] =	ssyncadd.s32 $0xFFFF8000  }
0x19: {  	[tilespmem:s3], [sflag:$0x2] =	stream.linear.gather [hbm4b:s5+s3], $0x100, $0x38;
	[tilespmem:$0x8100] =	vst v63  }
0x1a: {  	_ =	swait.ge [sflag:s4], $0x100  }
0x1b: {  	[sflag:s4] =	ssyncset.done $0x0  }
0x1c: {  	[sflag:s4] =	ssyncadd.s32 $0xFFFFFF00  }
0x1d: {  	[tilespmem:s7], [sflag:$0x1] =	stream.indirect.gather [hbm4b:s2+s6], $0x80, s3, s6, $0xb8;
	[tilespmem:$0x8100] =	vst v63  }
0x1e: {  	_ = 	snop  }
0x1f: {  	[tilespmem:s8], [sflag:$0x1] =	stream.indirect.gather [hbm4b:s2+s6], $0x80, s6, s6, $0xb8;
	[tilespmem:$0x8100] =	vst v63  }
0x20: {  	_ =	swait.ge [sflag:s9], $0x4000  }
0x21: {  	[sflag:s9] =	ssyncset.done $0x0  }
0x22: {  	[sflag:s9] =	ssyncadd.s32 $0xFFFFC000  }
0x23: {  	_ =	swait.ge [sflag:s9], $0x4000  }
.Ltmp1:
0x24: {  	[sflag:s9] =	ssyncset.done $0x0;
	(pc) =	sbr.rel @p0 .LBB2_1-.Ltmp1, $4  }
0x25: {  	[sflag:s9] =	ssyncadd.s32 $0xFFFFC000  }
0x26: {  	[hbm4b:s10+s3] =	stream.linear.scatter [tilespmem:s7], [sflag:$0x2], $0x8000, $0x38;
	[tilespmem:$0x8100] =	vst v63  }
0x27: {  	_ =	swait.ge [sflag:s4], $0x8000  }
0x28: {  	[sflag:s4] =	ssyncset.done $0x0  }
.LBB2_2:
0x29: {  	[sflag:s4] =	ssyncadd.s32 $0xFFFF8000  }
0x2a: {  	_ =	sfence.sel $0x180000  }
0x2b: {  	[bflag:$0x0] =	sbarrier.arrive $0xFFFF  }
0x2c: {  	p0 =	sne.s32 s0, $0x0;
	_ =	strace $0x90000047  }
0x2d: {  	s0 =	sadd.s32 @!p0 $0x100000, s1;
	[bflag:$0x2] =	sbarrier.arrive $0xFFFF  }
0x2e: {  	[sflag:s0] =	ssyncadd.tile.s32 @!p0 $0x1;
	_ =	shalt  }
.Lfunc_end2:
_tile_overlayer_lowered:
.L_overlay_start_2:
0x2f: {  	(tag) =	ssettag $0x2  }
0x30: {  	s0 =	rddreg [dreg:$0x0];
	s2 =	stileid.u32  }
0x31: {  	s1 =	rddreg [dreg:$0x1];
	p0 =	sne.s32 s2, $0x0  }
0x32: {  	s3 =	rddreg [dreg:$0x2];
	[bflag:$0x3] =	sbarrier.arrive $0xFFFF;
	s2 =	simm.s32 @!p0 $0x1C02  }
0x33: {  	[timem:s3], [sflag:s2] =	dma.local @!p0 [hbm:s0], s1  }
0x34: {  	s0 =	simm.s32 @!p0 $0x2  }
0x35: {  	_ =	swait.ge @!p0 [sflag:s0], s1  }
0x36: {  	s1 =	ssub.s32 @!p0 $0x0, s1;
	[sflag:s0] =	ssyncset.done @!p0 $0x0  }
0x37: {  	[sflag:s0] =	ssyncadd.s32 @!p0 s1  }
0x38: {  	[bflag:$0x3] =	sbarrier.arrive $0xFFFF  }
0x39: {  	_ =	shalt  }

</sc_bundles>
